<compile_context>
chip_gen: v7x
topology: tpu7x:2x2x1
jax: 0.10.2.dev20260603
libtpu: 0.0.44.dev20260713+nightly
codegen_flags: <defaults>
</compile_context>

<pallas_src>
import functools

import jax
import jax.numpy as jnp
from jax import lax
from jax.experimental import pallas as pl
from jax.experimental.pallas import tpu as pltpu
from jax.experimental.pallas import tpu_sc as plsc

D = 64
HALF = 100000
NEMB = 2 * HALF

NC, NS = 2, 16
NW = NC * NS

PROJ_BLK = 12800

SEQ = 50
CHUNK_B = 2
CHUNK_TOK = CHUNK_B * SEQ
CHUNK_IDX = 2 * CHUNK_TOK
GATHER_IDX = 128


def _proj_body(tt_ref, w_ref, b_ref, p_ref):
    p_ref[...] = (
        lax.dot_general(
            tt_ref[...], w_ref[...],
            dimension_numbers=(((0,), (0,)), ((), ())),
            preferred_element_type=jnp.float32,
        )
        + 0.5 * b_ref[...]
    )


def _project_table(tableT, Wcat, b2):
    return pl.pallas_call(
        _proj_body,
        grid=(pl.cdiv(NEMB, PROJ_BLK),),
        in_specs=[
            pl.BlockSpec((D, PROJ_BLK), lambda i: (0, i)),
            pl.BlockSpec((D, 2 * D), lambda i: (0, 0)),
            pl.BlockSpec((1, 2 * D), lambda i: (0, 0)),
        ],
        out_specs=pl.BlockSpec((PROJ_BLK, 2 * D), lambda i: (i, 0)),
        out_shape=jax.ShapeDtypeStruct((NEMB, 2 * D), jnp.float32),
    )(tableT, Wcat, b2)


def _sc_body(n_tok, xi_hbm, p_hbm, out_hbm,
             idx_v, rows0, rows1, out0, out1, g0, g1, o0, o1):
    tok_per_w = n_tok // NW
    idx_per_w = 2 * tok_per_w
    b_per_w = tok_per_w // SEQ
    n_chunks = b_per_w // CHUNK_B
    wid = lax.axis_index("s") * NC + lax.axis_index("c")
    rows = (rows0, rows1)
    outs = (out0, out1)
    gsems = (g0, g1)
    osems = (o0, o1)

    pltpu.sync_copy(xi_hbm.at[pl.ds(wid * idx_per_w, idx_per_w)], idx_v)
    offs = (lax.iota(jnp.int32, 16) % 2) * (NEMB + 1)

    @plsc.parallel_loop(0, idx_per_w // 16, 1, unroll=8)
    def _(t):
        v = idx_v[pl.ds(t * 16, 16)]
        idx_v[pl.ds(t * 16, 16)] = v + v + offs

    splits = []
    off = 0
    while off < CHUNK_IDX:
        n = min(GATHER_IDX, CHUNK_IDX - off)
        splits.append((off, n))
        off += n

    def fire(c, buf):
        for (o, n) in splits:
            pltpu.async_copy(
                p_hbm.at[idx_v.at[pl.ds(c * CHUNK_IDX + o, n)]],
                rows[buf].at[pl.ds(o, n)],
                gsems[buf],
            )

    def drain_gather(buf):
        for (o, n) in splits:
            pltpu.make_async_copy(
                p_hbm.at[pl.ds(0, n)],
                rows[buf].at[pl.ds(o, n)],
                gsems[buf],
            ).wait()

    def drain_out(buf):
        pltpu.make_async_copy(
            out_hbm.at[pl.ds(0, CHUNK_B)],
            outs[buf],
            osems[buf],
        ).wait()

    def compute(buf, c):
        @plsc.parallel_loop(0, CHUNK_TOK, 1, unroll=2)
        def _(j):
            lb = j // SEQ
            jj = j - lb * SEQ
            for v in range(D // 16):
                s = v * 16
                outs[buf][lb, jj, 0, pl.ds(s, 16)] = (
                    rows[buf][2 * j, pl.ds(s, 16)]
                    + rows[buf][2 * j + 1, pl.ds(s, 16)]
                )
        pltpu.async_copy(
            outs[buf],
            out_hbm.at[pl.ds(wid * b_per_w + c * CHUNK_B, CHUNK_B)],
            osems[buf],
        )

    fire(0, 0)

    def pair(k, carry):
        c0 = 2 * k
        fire(c0 + 1, 1)
        drain_gather(0)

        @pl.when(c0 >= 2)
        def _():
            drain_out(0)

        compute(0, c0)

        @pl.when(c0 + 2 < n_chunks)
        def _():
            fire(c0 + 2, 0)

        drain_gather(1)

        @pl.when(c0 >= 2)
        def _():
            drain_out(1)

        compute(1, c0 + 1)
        return carry

    lax.fori_loop(0, n_chunks // 2, pair, 0)
    drain_out(0)
    drain_out(1)


def _sc_lookup(xi, P, B, n_tok):
    mesh = plsc.VectorSubcoreMesh(core_axis_name="c", subcore_axis_name="s")
    idx_per_w = 2 * (n_tok // NW)
    f = pl.kernel(
        functools.partial(_sc_body, n_tok),
        out_type=jax.ShapeDtypeStruct((B, SEQ, 1, D), jnp.float32),
        mesh=mesh,
        compiler_params=pltpu.CompilerParams(use_tc_tiling_on_sc=False),
        scratch_types=[
            pltpu.VMEM((idx_per_w,), jnp.int32),
            pltpu.VMEM((CHUNK_IDX, D), jnp.float32),
            pltpu.VMEM((CHUNK_IDX, D), jnp.float32),
            pltpu.VMEM((CHUNK_B, SEQ, 1, D), jnp.float32),
            pltpu.VMEM((CHUNK_B, SEQ, 1, D), jnp.float32),
            pltpu.SemaphoreType.DMA,
            pltpu.SemaphoreType.DMA,
            pltpu.SemaphoreType.DMA,
            pltpu.SemaphoreType.DMA,
        ],
    )
    return f(xi, P)


def kernel(x, table, W, b):
    B, S, T, F = x.shape
    n_tok = B * S * T
    xflat = x.reshape(-1).astype(jnp.int32)
    Wcat = W.T.reshape(F, D, D).transpose(1, 0, 2).reshape(D, 2 * D)
    b2 = jnp.concatenate([b, b]).reshape(1, 2 * D)
    P2 = _project_table(jnp.transpose(table), Wcat, b2)
    return _sc_lookup(xflat, P2.reshape(2 * NEMB, D), B, n_tok)

# --- scband reference (transcript-rebuilt; emitter-appended) ---
"""Pipeline reference for scband-cate-feature-embedding-24859270709888 (READ-ONLY COPY).

The authoritative reference and input builder live on the scoring server;
editing this copy changes nothing except your own understanding.
"""

import jax, jax.numpy as jnp
import numpy as np

NUM_UNIQ = [100000, 100000]
EMBED_DIM = 64
STARTS = [0, 100000]
NUM_EMB = 200000


def setup_inputs(seed: int = 0) -> dict:
    key = jax.random.key(seed)
    k1, k2, k3, k4 = jax.random.split(key, 4)
    x = jax.random.randint(k1, (4096, 50, 1, 2), 0, 100000)
    table = jax.random.normal(k2, (NUM_EMB, EMBED_DIM), dtype=jnp.float32) * 0.02
    # nn.Linear(embed_dim * 2, embed_dim): weight [64, 128], bias [64]
    W = jax.random.normal(k3, (EMBED_DIM, EMBED_DIM * 2), dtype=jnp.float32) * (1.0 / np.sqrt(EMBED_DIM * 2))
    b = jax.random.normal(k4, (EMBED_DIM,), dtype=jnp.float32) * (1.0 / np.sqrt(EMBED_DIM * 2))
    return {"x": x, "table": table, "W": W, "b": b}


def reference(x, table, W, b):
    # x: int [B, S, T, F=2]; offset each field into the shared embedding table
    starts = jnp.asarray(STARTS, dtype=x.dtype)  # broadcast over last dim
    xi = x + starts
    emb = jnp.take(table, xi, axis=0)  # [B, S, T, F, D]
    emb = jnp.reshape(emb, (emb.shape[0], emb.shape[1], emb.shape[2], -1))  # [B, S, T, F*D]
    out = emb @ W.T + b  # Linear(2D -> D)
    return out

if __name__ == "__main__":
    import jax
    _d = setup_inputs()
    print(jax.jit(kernel)(*tuple(_d.values())))

</pallas_src>

<mosaic_0001>
#map = affine_map<(d0, d1) -> (0)>
#map1 = affine_map<(d0, d1) -> (0, 0)>
#map2 = affine_map<(d0, d1) -> (0, 0, 0, 0)>
module attributes {stable_mosaic.version = 14 : i64} {
  func.func @_sc_body(%arg0: i32, %arg1: i32, %arg2: memref<409600xi32, #tpu.memory_space<hbm>>, %arg3: memref<400000x64xf32, #tpu.memory_space<hbm>>, %arg4: memref<4096x50x1x64xf32, #tpu.memory_space<hbm>>, %arg5: memref<12800xi32, #tpu.memory_space<vmem>>, %arg6: memref<200x64xf32, #tpu.memory_space<vmem>>, %arg7: memref<200x64xf32, #tpu.memory_space<vmem>>, %arg8: memref<2x50x1x64xf32, #tpu.memory_space<vmem>>, %arg9: memref<2x50x1x64xf32, #tpu.memory_space<vmem>>, %arg10: memref<!tpu.dma_semaphore, #tpu.memory_space<semaphore_mem>>, %arg11: memref<!tpu.dma_semaphore, #tpu.memory_space<semaphore_mem>>, %arg12: memref<!tpu.dma_semaphore, #tpu.memory_space<semaphore_mem>>, %arg13: memref<!tpu.dma_semaphore, #tpu.memory_space<semaphore_mem>>) attributes {dimension_semantics = [#tpu.dimension_semantics<core_parallel>, #tpu.dimension_semantics<subcore_parallel>], iteration_bounds = array<i64: 2, 16>, scalar_prefetch = 0 : i64, scratch_operands = 9 : i64, tpu.core_type = #tpu.core_type<sc_vector_subcore>, window_params = [{transform_indices = #map}, {transform_indices = #map1}, {transform_indices = #map2}]} {
    %mul3A = arith.constant 2 : i32
    %mul3A_0 = arith.muli %arg1, %mul3A : i32
    %add3A = arith.addi %mul3A_0, %arg0 : i32
    %mul3A_1 = arith.constant 12800 : i32
    %mul3A_2 = arith.muli %add3A, %mul3A_1 : i32
    "tpu.region"() ({
      %run_scoped3A = tpu.sem_alloc : memref<!tpu.dma_semaphore, #tpu.memory_space<semaphore_mem>>
      %dma_start3A_62 = tpu.memref_slice %arg2[%mul3A_2] : memref<409600xi32, #tpu.memory_space<hbm>> -> memref<12800xi32, #tpu.memory_space<hbm>>
      %dma_start3A_63 = tpu.memref_slice %arg2[%mul3A_2] : memref<409600xi32, #tpu.memory_space<hbm>> -> memref<12800xi32, #tpu.memory_space<hbm>>
      tpu.enqueue_dma source(%dma_start3A_63 : memref<12800xi32, #tpu.memory_space<hbm>>) target(%arg5 : memref<12800xi32, #tpu.memory_space<vmem>>) target_semaphore(%run_scoped3A : memref<!tpu.dma_semaphore, #tpu.memory_space<semaphore_mem>>)
      %dma_wait3A_64 = tpu.memref_slice %arg2[%mul3A_2] : memref<409600xi32, #tpu.memory_space<hbm>> -> memref<12800xi32, #tpu.memory_space<hbm>>
      %dma_wait3A_65 = tpu.memref_slice %arg2[%mul3A_2] : memref<409600xi32, #tpu.memory_space<hbm>> -> memref<12800xi32, #tpu.memory_space<hbm>>
      tpu.wait_dma2 semaphore(%run_scoped3A : memref<!tpu.dma_semaphore, #tpu.memory_space<semaphore_mem>>) src(%dma_wait3A_65 : memref<12800xi32, #tpu.memory_space<hbm>>) dst(%arg5 : memref<12800xi32, #tpu.memory_space<vmem>>)
      tpu.yield
    }) : () -> ()
    %iota3A = tpu.iota {dimensions = array<i32: 0>} : vector<16xi32>
    %jit3A = arith.constant 2 : i32
    %eq3A = arith.constant 0 : i32
    %eq3A_3 = arith.cmpi eq, %jit3A, %eq3A : i32
    %jit3A_4 = arith.constant 1 : i32
    %select_n3A = arith.select %eq3A_3, %jit3A_4, %jit3A : i32
    %rem3A = vector.broadcast %select_n3A : i32 to vector<16xi32>
    %rem3A_5 = arith.remsi %iota3A, %rem3A : vector<16xi32>
    %ne3A = arith.constant 0 : i32
    %ne3A_6 = vector.broadcast %ne3A : i32 to vector<16xi32>
    %ne3A_7 = arith.cmpi ne, %rem3A_5, %ne3A_6 : vector<16xi32>
    %lt3A = arith.constant 0 : i32
    %lt3A_8 = vector.broadcast %lt3A : i32 to vector<16xi32>
    %lt3A_9 = arith.cmpi slt, %rem3A_5, %lt3A_8 : vector<16xi32>
    %lt3A_10 = arith.constant 0 : i32
    %lt3A_11 = arith.cmpi slt, %select_n3A, %lt3A_10 : i32
    %ne3A_12 = vector.broadcast %lt3A_11 : i1 to vector<16xi1>
    %ne3A_13 = vector.broadcast %ne3A_12 : vector<16xi1> to vector<16xi1>
    %ne3A_14 = arith.xori %lt3A_9, %ne3A_13 : vector<16xi1>
    %and3A = arith.andi %ne3A_14, %ne3A_7 : vector<16xi1>
    %add3A_15 = vector.broadcast %select_n3A : i32 to vector<16xi32>
    %add3A_16 = arith.addi %rem3A_5, %add3A_15 : vector<16xi32>
    %select_n3A_17 = arith.select %and3A, %add3A_16, %rem3A_5 : vector<16xi1>, vector<16xi32>
    %mul3A_18 = arith.constant 200001 : i32
    %mul3A_19 = vector.broadcast %mul3A_18 : i32 to vector<16xi32>
    %mul3A_20 = arith.muli %select_n3A_17, %mul3A_19 : vector<16xi32>
    %parallel_loop3A = arith.constant 0 : i32
    %parallel_loop3A_21 = arith.constant 800 : i32
    %parallel_loop3A_22 = arith.constant 1 : i32
    scf.for %parallel_loop3A_62 = %parallel_loop3A to %parallel_loop3A_21 step %parallel_loop3A_22  : i32 {
      %parallel_loop3A_63 = arith.constant 16 : i32
      %parallel_loop3A_64 = arith.muli %parallel_loop3A_62, %parallel_loop3A_63 : i32
      %parallel_loop3A_65 = arith.index_cast %parallel_loop3A_64 : i32 to index
      %parallel_loop3A_66 = tpu.vector_load %arg5[%parallel_loop3A_65] {strides = array<i32>} : memref<12800xi32, #tpu.memory_space<vmem>>, vector<16xi32>,
      %parallel_loop3A_67 = vector.shape_cast %parallel_loop3A_66 : vector<16xi32> to vector<16xi32>
      %parallel_loop3A_68 = arith.addi %parallel_loop3A_67, %parallel_loop3A_67 : vector<16xi32>
      %parallel_loop3A_69 = arith.addi %parallel_loop3A_68, %mul3A_20 : vector<16xi32>
      %parallel_loop3A_70 = arith.constant 16 : i32
      %parallel_loop3A_71 = arith.muli %parallel_loop3A_62, %parallel_loop3A_70 : i32
      %parallel_loop3A_72 = arith.index_cast %parallel_loop3A_71 : i32 to index
      %parallel_loop3A_73 = tpu.vector_load %arg5[%parallel_loop3A_72] {strides = array<i32>} : memref<12800xi32, #tpu.memory_space<vmem>>, vector<16xi32>,
      %parallel_loop3A_74 = vector.shape_cast %parallel_loop3A_73 : vector<16xi32> to vector<16xi32>
      %parallel_loop3A_75 = vector.shape_cast %parallel_loop3A_69 : vector<16xi32> to vector<16xi32>
      tpu.vector_store %arg5[%parallel_loop3A_72], %parallel_loop3A_75 {strides = array<i32>} : memref<12800xi32, #tpu.memory_space<vmem>>, vector<16xi32>,
    } {sc.loop_unroll_factor = 8 : i64, sc.parallel_access}
    %dma_start3A = arith.constant 0 : i32
    %dma_start3A_23 = arith.constant 0 : i32
    %dma_start3A_24 = tpu.memref_slice %arg6[%dma_start3A, %dma_start3A_23] : memref<200x64xf32, #tpu.memory_space<vmem>> -> memref<128x64xf32, #tpu.memory_space<vmem>>
    %dma_start3A_25 = arith.constant 0 : i32
    %dma_start3A_26 = tpu.memref_slice %arg5[%dma_start3A_25] : memref<12800xi32, #tpu.memory_space<vmem>> -> memref<128xi32, #tpu.memory_space<vmem>>
    %dma_start3A_27 = arith.constant 0 : i32
    %dma_start3A_28 = arith.constant 0 : i32
    %dma_start3A_29 = tpu.memref_slice %arg3[%dma_start3A_27, %dma_start3A_28] : memref<400000x64xf32, #tpu.memory_space<hbm>> -> memref<400000x64xf32, #tpu.memory_space<hbm>>
    tpu.enqueue_indirect_dma source(%dma_start3A_29 : memref<400000x64xf32, #tpu.memory_space<hbm>>) target(%dma_start3A_24 : memref<128x64xf32, #tpu.memory_space<vmem>>) offsets(%dma_start3A_26 : memref<128xi32, #tpu.memory_space<vmem>>) semaphore(%arg10 : memref<!tpu.dma_semaphore, #tpu.memory_space<semaphore_mem>>)
    %dma_start3A_30 = arith.constant 128 : i32
    %dma_start3A_31 = arith.constant 0 : i32
    %dma_start3A_32 = tpu.memref_slice %arg6[%dma_start3A_30, %dma_start3A_31] : memref<200x64xf32, #tpu.memory_space<vmem>> -> memref<72x64xf32, #tpu.memory_space<vmem>>
    %dma_start3A_33 = arith.constant 128 : i32
    %dma_start3A_34 = tpu.memref_slice %arg5[%dma_start3A_33] : memref<12800xi32, #tpu.memory_space<vmem>> -> memref<72xi32, #tpu.memory_space<vmem>>
    %dma_start3A_35 = arith.constant 0 : i32
    %dma_start3A_36 = arith.constant 0 : i32
    %dma_start3A_37 = tpu.memref_slice %arg3[%dma_start3A_35, %dma_start3A_36] : memref<400000x64xf32, #tpu.memory_space<hbm>> -> memref<400000x64xf32, #tpu.memory_space<hbm>>
    tpu.enqueue_indirect_dma source(%dma_start3A_37 : memref<400000x64xf32, #tpu.memory_space<hbm>>) target(%dma_start3A_32 : memref<72x64xf32, #tpu.memory_space<vmem>>) offsets(%dma_start3A_34 : memref<72xi32, #tpu.memory_space<vmem>>) semaphore(%arg10 : memref<!tpu.dma_semaphore, #tpu.memory_space<semaphore_mem>>)
    %scan3A = arith.constant 0 : i32
    %scan3A_38 = arith.constant 0 : i32
    %scan3A_39 = arith.constant 32 : i32
    %scan3A_40 = arith.addi %scan3A_38, %scan3A_39 : i32
    %scan3A_41 = arith.constant 1 : i32
    scf.for %scan3A_62 = %scan3A_38 to %scan3A_40 step %scan3A_41  : i32 {
      %mul3A_63 = arith.constant 2 : i32
      %mul3A_64 = arith.muli %mul3A_63, %scan3A_62 : i32
      %add3A_65 = arith.constant 1 : i32
      %add3A_66 = arith.addi %mul3A_64, %add3A_65 : i32
      %mul3A_67 = arith.constant 200 : i32
      %mul3A_68 = arith.muli %add3A_66, %mul3A_67 : i32
      %add3A_69 = arith.constant 0 : i32
      %add3A_70 = arith.addi %mul3A_68, %add3A_69 : i32
      %dma_start3A_71 = arith.constant 0 : i32
      %dma_start3A_72 = arith.constant 0 : i32
      %dma_start3A_73 = tpu.memref_slice %arg7[%dma_start3A_71, %dma_start3A_72] : memref<200x64xf32, #tpu.memory_space<vmem>> -> memref<128x64xf32, #tpu.memory_space<vmem>>
      %dma_start3A_74 = tpu.memref_slice %arg5[%add3A_70] : memref<12800xi32, #tpu.memory_space<vmem>> -> memref<128xi32, #tpu.memory_space<vmem>>
      %dma_start3A_75 = arith.constant 0 : i32
      %dma_start3A_76 = arith.constant 0 : i32
      %dma_start3A_77 = tpu.memref_slice %arg3[%dma_start3A_75, %dma_start3A_76] : memref<400000x64xf32, #tpu.memory_space<hbm>> -> memref<400000x64xf32, #tpu.memory_space<hbm>>
      tpu.enqueue_indirect_dma source(%dma_start3A_77 : memref<400000x64xf32, #tpu.memory_space<hbm>>) target(%dma_start3A_73 : memref<128x64xf32, #tpu.memory_space<vmem>>) offsets(%dma_start3A_74 : memref<128xi32, #tpu.memory_space<vmem>>) semaphore(%arg11 : memref<!tpu.dma_semaphore, #tpu.memory_space<semaphore_mem>>)
      %mul3A_78 = arith.constant 200 : i32
      %mul3A_79 = arith.muli %add3A_66, %mul3A_78 : i32
      %add3A_80 = arith.constant 128 : i32
      %add3A_81 = arith.addi %mul3A_79, %add3A_80 : i32
      %dma_start3A_82 = arith.constant 128 : i32
      %dma_start3A_83 = arith.constant 0 : i32
      %dma_start3A_84 = tpu.memref_slice %arg7[%dma_start3A_82, %dma_start3A_83] : memref<200x64xf32, #tpu.memory_space<vmem>> -> memref<72x64xf32, #tpu.memory_space<vmem>>
      %dma_start3A_85 = tpu.memref_slice %arg5[%add3A_81] : memref<12800xi32, #tpu.memory_space<vmem>> -> memref<72xi32, #tpu.memory_space<vmem>>
      %dma_start3A_86 = arith.constant 0 : i32
      %dma_start3A_87 = arith.constant 0 : i32
      %dma_start3A_88 = tpu.memref_slice %arg3[%dma_start3A_86, %dma_start3A_87] : memref<400000x64xf32, #tpu.memory_space<hbm>> -> memref<400000x64xf32, #tpu.memory_space<hbm>>
      tpu.enqueue_indirect_dma source(%dma_start3A_88 : memref<400000x64xf32, #tpu.memory_space<hbm>>) target(%dma_start3A_84 : memref<72x64xf32, #tpu.memory_space<vmem>>) offsets(%dma_start3A_85 : memref<72xi32, #tpu.memory_space<vmem>>) semaphore(%arg11 : memref<!tpu.dma_semaphore, #tpu.memory_space<semaphore_mem>>)
      %dma_wait3A_89 = arith.constant 0 : i32
      %dma_wait3A_90 = arith.constant 0 : i32
      %dma_wait3A_91 = tpu.memref_slice %arg6[%dma_wait3A_89, %dma_wait3A_90] : memref<200x64xf32, #tpu.memory_space<vmem>> -> memref<128x64xf32, #tpu.memory_space<vmem>>
      %dma_wait3A_92 = arith.constant 0 : i32
      %dma_wait3A_93 = arith.constant 0 : i32
      %dma_wait3A_94 = tpu.memref_slice %arg3[%dma_wait3A_92, %dma_wait3A_93] : memref<400000x64xf32, #tpu.memory_space<hbm>> -> memref<128x64xf32, #tpu.memory_space<hbm>>
      %dma_wait3A_95 = arith.constant 0 : i32
      %dma_wait3A_96 = arith.constant 0 : i32
      %dma_wait3A_97 = tpu.memref_slice %arg6[%dma_wait3A_95, %dma_wait3A_96] : memref<200x64xf32, #tpu.memory_space<vmem>> -> memref<128x64xf32, #tpu.memory_space<vmem>>
      %dma_wait3A_98 = arith.constant 0 : i32
      %dma_wait3A_99 = arith.constant 0 : i32
      %dma_wait3A_100 = tpu.memref_slice %arg3[%dma_wait3A_98, %dma_wait3A_99] : memref<400000x64xf32, #tpu.memory_space<hbm>> -> memref<128x64xf32, #tpu.memory_space<hbm>>
      tpu.wait_dma2 semaphore(%arg10 : memref<!tpu.dma_semaphore, #tpu.memory_space<semaphore_mem>>) src(%dma_wait3A_100 : memref<128x64xf32, #tpu.memory_space<hbm>>) dst(%dma_wait3A_97 : memref<128x64xf32, #tpu.memory_space<vmem>>)
      %dma_wait3A_101 = arith.constant 128 : i32
      %dma_wait3A_102 = arith.constant 0 : i32
      %dma_wait3A_103 = tpu.memref_slice %arg6[%dma_wait3A_101, %dma_wait3A_102] : memref<200x64xf32, #tpu.memory_space<vmem>> -> memref<72x64xf32, #tpu.memory_space<vmem>>
      %dma_wait3A_104 = arith.constant 0 : i32
      %dma_wait3A_105 = arith.constant 0 : i32
      %dma_wait3A_106 = tpu.memref_slice %arg3[%dma_wait3A_104, %dma_wait3A_105] : memref<400000x64xf32, #tpu.memory_space<hbm>> -> memref<72x64xf32, #tpu.memory_space<hbm>>
      %dma_wait3A_107 = arith.constant 128 : i32
      %dma_wait3A_108 = arith.constant 0 : i32
      %dma_wait3A_109 = tpu.memref_slice %arg6[%dma_wait3A_107, %dma_wait3A_108] : memref<200x64xf32, #tpu.memory_space<vmem>> -> memref<72x64xf32, #tpu.memory_space<vmem>>
      %dma_wait3A_110 = arith.constant 0 : i32
      %dma_wait3A_111 = arith.constant 0 : i32
      %dma_wait3A_112 = tpu.memref_slice %arg3[%dma_wait3A_110, %dma_wait3A_111] : memref<400000x64xf32, #tpu.memory_space<hbm>> -> memref<72x64xf32, #tpu.memory_space<hbm>>
      tpu.wait_dma2 semaphore(%arg10 : memref<!tpu.dma_semaphore, #tpu.memory_space<semaphore_mem>>) src(%dma_wait3A_112 : memref<72x64xf32, #tpu.memory_space<hbm>>) dst(%dma_wait3A_109 : memref<72x64xf32, #tpu.memory_space<vmem>>)
      %ge3A = arith.constant 2 : i32
      %ge3A_113 = arith.cmpi sge, %mul3A_64, %ge3A : i32
      %convert_element_type3A = arith.extui %ge3A_113 : i1 to i32
      %cond3A = arith.constant 0 : i32
      %cond3A_114 = arith.cmpi ne, %convert_element_type3A, %cond3A : i32
      scf.if %cond3A_114 {
        %dma_wait3A_185 = arith.constant 0 : i32
        %dma_wait3A_186 = arith.constant 0 : i32
        %dma_wait3A_187 = arith.constant 0 : i32
        %dma_wait3A_188 = arith.constant 0 : i32
        %dma_wait3A_189 = tpu.memref_slice %arg4[%dma_wait3A_185, %dma_wait3A_186, %dma_wait3A_187, %dma_wait3A_188] : memref<4096x50x1x64xf32, #tpu.memory_space<hbm>> -> memref<2x50x1x64xf32, #tpu.memory_space<hbm>>
        %dma_wait3A_190 = arith.constant 0 : i32
        %dma_wait3A_191 = arith.constant 0 : i32
        %dma_wait3A_192 = arith.constant 0 : i32
        %dma_wait3A_193 = arith.constant 0 : i32
        %dma_wait3A_194 = tpu.memref_slice %arg4[%dma_wait3A_190, %dma_wait3A_191, %dma_wait3A_192, %dma_wait3A_193] : memref<4096x50x1x64xf32, #tpu.memory_space<hbm>> -> memref<2x50x1x64xf32, #tpu.memory_space<hbm>>
        tpu.wait_dma2 semaphore(%arg12 : memref<!tpu.dma_semaphore, #tpu.memory_space<semaphore_mem>>) src(%dma_wait3A_194 : memref<2x50x1x64xf32, #tpu.memory_space<hbm>>) dst(%arg8 : memref<2x50x1x64xf32, #tpu.memory_space<vmem>>)
      } else {
      }
      %parallel_loop3A_115 = arith.constant 0 : i32
      %parallel_loop3A_116 = arith.constant 100 : i32
      %parallel_loop3A_117 = arith.constant 1 : i32
      scf.for %parallel_loop3A_185 = %parallel_loop3A_115 to %parallel_loop3A_116 step %parallel_loop3A_117  : i32 {
        %parallel_loop3A_186 = arith.constant 50 : i32
        %parallel_loop3A_187 = arith.divsi %parallel_loop3A_185, %parallel_loop3A_186 : i32
        %parallel_loop3A_188 = arith.constant 0 : i32
        %parallel_loop3A_189 = arith.cmpi sgt, %parallel_loop3A_185, %parallel_loop3A_188 : i32
        %parallel_loop3A_190 = arith.extui %parallel_loop3A_189 : i1 to i32
        %parallel_loop3A_191 = arith.constant 0 : i32
        %parallel_loop3A_192 = arith.cmpi slt, %parallel_loop3A_185, %parallel_loop3A_191 : i32
        %parallel_loop3A_193 = arith.extui %parallel_loop3A_192 : i1 to i32
        %parallel_loop3A_194 = arith.subi %parallel_loop3A_190, %parallel_loop3A_193 : i32
        %parallel_loop3A_195 = arith.constant 0 : i32
        %parallel_loop3A_196 = arith.cmpi sgt, %parallel_loop3A_186, %parallel_loop3A_195 : i32
        %parallel_loop3A_197 = arith.extui %parallel_loop3A_196 : i1 to i32
        %parallel_loop3A_198 = arith.constant 0 : i32
        %parallel_loop3A_199 = arith.cmpi slt, %parallel_loop3A_186, %parallel_loop3A_198 : i32
        %parallel_loop3A_200 = arith.extui %parallel_loop3A_199 : i1 to i32
        %parallel_loop3A_201 = arith.subi %parallel_loop3A_197, %parallel_loop3A_200 : i32
        %parallel_loop3A_202 = arith.cmpi ne, %parallel_loop3A_194, %parallel_loop3A_201 : i32
        %parallel_loop3A_203 = arith.remsi %parallel_loop3A_185, %parallel_loop3A_186 : i32
        %parallel_loop3A_204 = arith.constant 0 : i32
        %parallel_loop3A_205 = arith.cmpi ne, %parallel_loop3A_203, %parallel_loop3A_204 : i32
        %parallel_loop3A_206 = arith.andi %parallel_loop3A_202, %parallel_loop3A_205 : i1
        %parallel_loop3A_207 = arith.constant 1 : i32
        %parallel_loop3A_208 = arith.subi %parallel_loop3A_187, %parallel_loop3A_207 : i32
        %parallel_loop3A_209 = arith.select %parallel_loop3A_206, %parallel_loop3A_208, %parallel_loop3A_187 : i32
        %parallel_loop3A_210 = arith.constant 50 : i32
        %parallel_loop3A_211 = arith.muli %parallel_loop3A_209, %parallel_loop3A_210 : i32
        %parallel_loop3A_212 = arith.subi %parallel_loop3A_185, %parallel_loop3A_211 : i32
        %parallel_loop3A_213 = arith.constant 2 : i32
        %parallel_loop3A_214 = arith.muli %parallel_loop3A_213, %parallel_loop3A_185 : i32
        %parallel_loop3A_215 = arith.index_cast %parallel_loop3A_214 : i32 to index
        %parallel_loop3A_216 = arith.constant 0 : index
        %parallel_loop3A_217 = tpu.vector_load %arg6[%parallel_loop3A_215, %parallel_loop3A_216] {strides = array<i32>} : memref<200x64xf32, #tpu.memory_space<vmem>>, vector<1x16xf32>,
        %parallel_loop3A_218 = vector.shape_cast %parallel_loop3A_217 : vector<1x16xf32> to vector<16xf32>
        %parallel_loop3A_219 = arith.constant 2 : i32
        %parallel_loop3A_220 = arith.muli %parallel_loop3A_219, %parallel_loop3A_185 : i32
        %parallel_loop3A_221 = arith.constant 1 : i32
        %parallel_loop3A_222 = arith.addi %parallel_loop3A_220, %parallel_loop3A_221 : i32
        %parallel_loop3A_223 = arith.index_cast %parallel_loop3A_222 : i32 to index
        %parallel_loop3A_224 = arith.constant 0 : index
        %parallel_loop3A_225 = tpu.vector_load %arg6[%parallel_loop3A_223, %parallel_loop3A_224] {strides = array<i32>} : memref<200x64xf32, #tpu.memory_space<vmem>>, vector<1x16xf32>,
        %parallel_loop3A_226 = vector.shape_cast %parallel_loop3A_225 : vector<1x16xf32> to vector<16xf32>
        %parallel_loop3A_227 = arith.addf %parallel_loop3A_218, %parallel_loop3A_226 : vector<16xf32>
        %parallel_loop3A_228 = arith.constant 0 : i32
        %parallel_loop3A_229 = arith.index_cast %parallel_loop3A_209 : i32 to index
        %parallel_loop3A_230 = arith.index_cast %parallel_loop3A_212 : i32 to index
        %parallel_loop3A_231 = arith.index_cast %parallel_loop3A_228 : i32 to index
        %parallel_loop3A_232 = arith.constant 0 : index
        %parallel_loop3A_233 = tpu.vector_load %arg8[%parallel_loop3A_229, %parallel_loop3A_230, %parallel_loop3A_231, %parallel_loop3A_232] {strides = array<i32>} : memref<2x50x1x64xf32, #tpu.memory_space<vmem>>, vector<1x1x1x16xf32>,
        %parallel_loop3A_234 = vector.shape_cast %parallel_loop3A_233 : vector<1x1x1x16xf32> to vector<16xf32>
        %parallel_loop3A_235 = vector.shape_cast %parallel_loop3A_227 : vector<16xf32> to vector<1x1x1x16xf32>
        tpu.vector_store %arg8[%parallel_loop3A_229, %parallel_loop3A_230, %parallel_loop3A_231, %parallel_loop3A_232], %parallel_loop3A_235 {strides = array<i32>} : memref<2x50x1x64xf32, #tpu.memory_space<vmem>>, vector<1x1x1x16xf32>,
        %parallel_loop3A_236 = arith.constant 2 : i32
        %parallel_loop3A_237 = arith.muli %parallel_loop3A_236, %parallel_loop3A_185 : i32
        %parallel_loop3A_238 = arith.index_cast %parallel_loop3A_237 : i32 to index
        %parallel_loop3A_239 = arith.constant 16 : index
        %parallel_loop3A_240 = tpu.vector_load %arg6[%parallel_loop3A_238, %parallel_loop3A_239] {strides = array<i32>} : memref<200x64xf32, #tpu.memory_space<vmem>>, vector<1x16xf32>,
        %parallel_loop3A_241 = vector.shape_cast %parallel_loop3A_240 : vector<1x16xf32> to vector<16xf32>
        %parallel_loop3A_242 = arith.constant 2 : i32
        %parallel_loop3A_243 = arith.muli %parallel_loop3A_242, %parallel_loop3A_185 : i32
        %parallel_loop3A_244 = arith.constant 1 : i32
        %parallel_loop3A_245 = arith.addi %parallel_loop3A_243, %parallel_loop3A_244 : i32
        %parallel_loop3A_246 = arith.index_cast %parallel_loop3A_245 : i32 to index
        %parallel_loop3A_247 = arith.constant 16 : index
        %parallel_loop3A_248 = tpu.vector_load %arg6[%parallel_loop3A_246, %parallel_loop3A_247] {strides = array<i32>} : memref<200x64xf32, #tpu.memory_space<vmem>>, vector<1x16xf32>,
        %parallel_loop3A_249 = vector.shape_cast %parallel_loop3A_248 : vector<1x16xf32> to vector<16xf32>
        %parallel_loop3A_250 = arith.addf %parallel_loop3A_241, %parallel_loop3A_249 : vector<16xf32>
        %parallel_loop3A_251 = arith.constant 0 : i32
        %parallel_loop3A_252 = arith.index_cast %parallel_loop3A_209 : i32 to index
        %parallel_loop3A_253 = arith.index_cast %parallel_loop3A_212 : i32 to index
        %parallel_loop3A_254 = arith.index_cast %parallel_loop3A_251 : i32 to index
        %parallel_loop3A_255 = arith.constant 16 : index
        %parallel_loop3A_256 = tpu.vector_load %arg8[%parallel_loop3A_252, %parallel_loop3A_253, %parallel_loop3A_254, %parallel_loop3A_255] {strides = array<i32>} : memref<2x50x1x64xf32, #tpu.memory_space<vmem>>, vector<1x1x1x16xf32>,
        %parallel_loop3A_257 = vector.shape_cast %parallel_loop3A_256 : vector<1x1x1x16xf32> to vector<16xf32>
        %parallel_loop3A_258 = vector.shape_cast %parallel_loop3A_250 : vector<16xf32> to vector<1x1x1x16xf32>
        tpu.vector_store %arg8[%parallel_loop3A_252, %parallel_loop3A_253, %parallel_loop3A_254, %parallel_loop3A_255], %parallel_loop3A_258 {strides = array<i32>} : memref<2x50x1x64xf32, #tpu.memory_space<vmem>>, vector<1x1x1x16xf32>,
        %parallel_loop3A_259 = arith.constant 2 : i32
        %parallel_loop3A_260 = arith.muli %parallel_loop3A_259, %parallel_loop3A_185 : i32
        %parallel_loop3A_261 = arith.index_cast %parallel_loop3A_260 : i32 to index
        %parallel_loop3A_262 = arith.constant 32 : index
        %parallel_loop3A_263 = tpu.vector_load %arg6[%parallel_loop3A_261, %parallel_loop3A_262] {strides = array<i32>} : memref<200x64xf32, #tpu.memory_space<vmem>>, vector<1x16xf32>,
        %parallel_loop3A_264 = vector.shape_cast %parallel_loop3A_263 : vector<1x16xf32> to vector<16xf32>
        %parallel_loop3A_265 = arith.constant 2 : i32
        %parallel_loop3A_266 = arith.muli %parallel_loop3A_265, %parallel_loop3A_185 : i32
        %parallel_loop3A_267 = arith.constant 1 : i32
        %parallel_loop3A_268 = arith.addi %parallel_loop3A_266, %parallel_loop3A_267 : i32
        %parallel_loop3A_269 = arith.index_cast %parallel_loop3A_268 : i32 to index
        %parallel_loop3A_270 = arith.constant 32 : index
        %parallel_loop3A_271 = tpu.vector_load %arg6[%parallel_loop3A_269, %parallel_loop3A_270] {strides = array<i32>} : memref<200x64xf32, #tpu.memory_space<vmem>>, vector<1x16xf32>,
        %parallel_loop3A_272 = vector.shape_cast %parallel_loop3A_271 : vector<1x16xf32> to vector<16xf32>
        %parallel_loop3A_273 = arith.addf %parallel_loop3A_264, %parallel_loop3A_272 : vector<16xf32>
        %parallel_loop3A_274 = arith.constant 0 : i32
        %parallel_loop3A_275 = arith.index_cast %parallel_loop3A_209 : i32 to index
        %parallel_loop3A_276 = arith.index_cast %parallel_loop3A_212 : i32 to index
        %parallel_loop3A_277 = arith.index_cast %parallel_loop3A_274 : i32 to index
        %parallel_loop3A_278 = arith.constant 32 : index
        %parallel_loop3A_279 = tpu.vector_load %arg8[%parallel_loop3A_275, %parallel_loop3A_276, %parallel_loop3A_277, %parallel_loop3A_278] {strides = array<i32>} : memref<2x50x1x64xf32, #tpu.memory_space<vmem>>, vector<1x1x1x16xf32>,
        %parallel_loop3A_280 = vector.shape_cast %parallel_loop3A_279 : vector<1x1x1x16xf32> to vector<16xf32>
        %parallel_loop3A_281 = vector.shape_cast %parallel_loop3A_273 : vector<16xf32> to vector<1x1x1x16xf32>
        tpu.vector_store %arg8[%parallel_loop3A_275, %parallel_loop3A_276, %parallel_loop3A_277, %parallel_loop3A_278], %parallel_loop3A_281 {strides = array<i32>} : memref<2x50x1x64xf32, #tpu.memory_space<vmem>>, vector<1x1x1x16xf32>,
        %parallel_loop3A_282 = arith.constant 2 : i32
        %parallel_loop3A_283 = arith.muli %parallel_loop3A_282, %parallel_loop3A_185 : i32
        %parallel_loop3A_284 = arith.index_cast %parallel_loop3A_283 : i32 to index
        %parallel_loop3A_285 = arith.constant 48 : index
        %parallel_loop3A_286 = tpu.vector_load %arg6[%parallel_loop3A_284, %parallel_loop3A_285] {strides = array<i32>} : memref<200x64xf32, #tpu.memory_space<vmem>>, vector<1x16xf32>,
        %parallel_loop3A_287 = vector.shape_cast %parallel_loop3A_286 : vector<1x16xf32> to vector<16xf32>
        %parallel_loop3A_288 = arith.constant 2 : i32
        %parallel_loop3A_289 = arith.muli %parallel_loop3A_288, %parallel_loop3A_185 : i32
        %parallel_loop3A_290 = arith.constant 1 : i32
        %parallel_loop3A_291 = arith.addi %parallel_loop3A_289, %parallel_loop3A_290 : i32
        %parallel_loop3A_292 = arith.index_cast %parallel_loop3A_291 : i32 to index
        %parallel_loop3A_293 = arith.constant 48 : index
        %parallel_loop3A_294 = tpu.vector_load %arg6[%parallel_loop3A_292, %parallel_loop3A_293] {strides = array<i32>} : memref<200x64xf32, #tpu.memory_space<vmem>>, vector<1x16xf32>,
        %parallel_loop3A_295 = vector.shape_cast %parallel_loop3A_294 : vector<1x16xf32> to vector<16xf32>
        %parallel_loop3A_296 = arith.addf %parallel_loop3A_287, %parallel_loop3A_295 : vector<16xf32>
        %parallel_loop3A_297 = arith.constant 0 : i32
        %parallel_loop3A_298 = arith.index_cast %parallel_loop3A_209 : i32 to index
        %parallel_loop3A_299 = arith.index_cast %parallel_loop3A_212 : i32 to index
        %parallel_loop3A_300 = arith.index_cast %parallel_loop3A_297 : i32 to index
        %parallel_loop3A_301 = arith.constant 48 : index
        %parallel_loop3A_302 = tpu.vector_load %arg8[%parallel_loop3A_298, %parallel_loop3A_299, %parallel_loop3A_300, %parallel_loop3A_301] {strides = array<i32>} : memref<2x50x1x64xf32, #tpu.memory_space<vmem>>, vector<1x1x1x16xf32>,
        %parallel_loop3A_303 = vector.shape_cast %parallel_loop3A_302 : vector<1x1x1x16xf32> to vector<16xf32>
        %parallel_loop3A_304 = vector.shape_cast %parallel_loop3A_296 : vector<16xf32> to vector<1x1x1x16xf32>
        tpu.vector_store %arg8[%parallel_loop3A_298, %parallel_loop3A_299, %parallel_loop3A_300, %parallel_loop3A_301], %parallel_loop3A_304 {strides = array<i32>} : memref<2x50x1x64xf32, #tpu.memory_space<vmem>>, vector<1x1x1x16xf32>,
      } {sc.loop_unroll_factor = 2 : i64, sc.parallel_access}
      %mul3A_118 = arith.constant 128 : i32
      %mul3A_119 = arith.muli %add3A, %mul3A_118 : i32
      %mul3A_120 = arith.constant 2 : i32
      %mul3A_121 = arith.muli %mul3A_64, %mul3A_120 : i32
      %add3A_122 = arith.addi %mul3A_119, %mul3A_121 : i32
      %dma_start3A_123 = arith.constant 0 : i32
      %dma_start3A_124 = arith.constant 0 : i32
      %dma_start3A_125 = arith.constant 0 : i32
      %dma_start3A_126 = tpu.memref_slice %arg4[%add3A_122, %dma_start3A_123, %dma_start3A_124, %dma_start3A_125] : memref<4096x50x1x64xf32, #tpu.memory_space<hbm>> -> memref<2x50x1x64xf32, #tpu.memory_space<hbm>>
      %dma_start3A_127 = arith.constant 0 : i32
      %dma_start3A_128 = arith.constant 0 : i32
      %dma_start3A_129 = arith.constant 0 : i32
      %dma_start3A_130 = tpu.memref_slice %arg4[%add3A_122, %dma_start3A_127, %dma_start3A_128, %dma_start3A_129] : memref<4096x50x1x64xf32, #tpu.memory_space<hbm>> -> memref<2x50x1x64xf32, #tpu.memory_space<hbm>>
      tpu.enqueue_dma source(%arg8 : memref<2x50x1x64xf32, #tpu.memory_space<vmem>>) target(%dma_start3A_130 : memref<2x50x1x64xf32, #tpu.memory_space<hbm>>) target_semaphore(%arg12 : memref<!tpu.dma_semaphore, #tpu.memory_space<semaphore_mem>>)
      %add3A_131 = arith.constant 2 : i32
      %add3A_132 = arith.addi %mul3A_64, %add3A_131 : i32
      %lt3A_133 = arith.constant 64 : i32
      %lt3A_134 = arith.cmpi slt, %add3A_132, %lt3A_133 : i32
      %convert_element_type3A_135 = arith.extui %lt3A_134 : i1 to i32
      %cond3A_136 = arith.constant 0 : i32
      %cond3A_137 = arith.cmpi ne, %convert_element_type3A_135, %cond3A_136 : i32
      scf.if %cond3A_137 {
        %add3A_185 = arith.constant 2 : i32
        %add3A_186 = arith.addi %mul3A_64, %add3A_185 : i32
        %mul3A_187 = arith.constant 200 : i32
        %mul3A_188 = arith.muli %add3A_186, %mul3A_187 : i32
        %add3A_189 = arith.constant 0 : i32
        %add3A_190 = arith.addi %mul3A_188, %add3A_189 : i32
        %dma_start3A_191 = arith.constant 0 : i32
        %dma_start3A_192 = arith.constant 0 : i32
        %dma_start3A_193 = tpu.memref_slice %arg6[%dma_start3A_191, %dma_start3A_192] : memref<200x64xf32, #tpu.memory_space<vmem>> -> memref<128x64xf32, #tpu.memory_space<vmem>>
        %dma_start3A_194 = tpu.memref_slice %arg5[%add3A_190] : memref<12800xi32, #tpu.memory_space<vmem>> -> memref<128xi32, #tpu.memory_space<vmem>>
        %dma_start3A_195 = arith.constant 0 : i32
        %dma_start3A_196 = arith.constant 0 : i32
        %dma_start3A_197 = tpu.memref_slice %arg3[%dma_start3A_195, %dma_start3A_196] : memref<400000x64xf32, #tpu.memory_space<hbm>> -> memref<400000x64xf32, #tpu.memory_space<hbm>>
        tpu.enqueue_indirect_dma source(%dma_start3A_197 : memref<400000x64xf32, #tpu.memory_space<hbm>>) target(%dma_start3A_193 : memref<128x64xf32, #tpu.memory_space<vmem>>) offsets(%dma_start3A_194 : memref<128xi32, #tpu.memory_space<vmem>>) semaphore(%arg10 : memref<!tpu.dma_semaphore, #tpu.memory_space<semaphore_mem>>)
        %mul3A_198 = arith.constant 200 : i32
        %mul3A_199 = arith.muli %add3A_186, %mul3A_198 : i32
        %add3A_200 = arith.constant 128 : i32
        %add3A_201 = arith.addi %mul3A_199, %add3A_200 : i32
        %dma_start3A_202 = arith.constant 128 : i32
        %dma_start3A_203 = arith.constant 0 : i32
        %dma_start3A_204 = tpu.memref_slice %arg6[%dma_start3A_202, %dma_start3A_203] : memref<200x64xf32, #tpu.memory_space<vmem>> -> memref<72x64xf32, #tpu.memory_space<vmem>>
        %dma_start3A_205 = tpu.memref_slice %arg5[%add3A_201] : memref<12800xi32, #tpu.memory_space<vmem>> -> memref<72xi32, #tpu.memory_space<vmem>>
        %dma_start3A_206 = arith.constant 0 : i32
        %dma_start3A_207 = arith.constant 0 : i32
        %dma_start3A_208 = tpu.memref_slice %arg3[%dma_start3A_206, %dma_start3A_207] : memref<400000x64xf32, #tpu.memory_space<hbm>> -> memref<400000x64xf32, #tpu.memory_space<hbm>>
        tpu.enqueue_indirect_dma source(%dma_start3A_208 : memref<400000x64xf32, #tpu.memory_space<hbm>>) target(%dma_start3A_204 : memref<72x64xf32, #tpu.memory_space<vmem>>) offsets(%dma_start3A_205 : memref<72xi32, #tpu.memory_space<vmem>>) semaphore(%arg10 : memref<!tpu.dma_semaphore, #tpu.memory_space<semaphore_mem>>)
      } else {
      }
      %dma_wait3A_138 = arith.constant 0 : i32
      %dma_wait3A_139 = arith.constant 0 : i32
      %dma_wait3A_140 = tpu.memref_slice %arg7[%dma_wait3A_138, %dma_wait3A_139] : memref<200x64xf32, #tpu.memory_space<vmem>> -> memref<128x64xf32, #tpu.memory_space<vmem>>
      %dma_wait3A_141 = arith.constant 0 : i32
      %dma_wait3A_142 = arith.constant 0 : i32
      %dma_wait3A_143 = tpu.memref_slice %arg3[%dma_wait3A_141, %dma_wait3A_142] : memref<400000x64xf32, #tpu.memory_space<hbm>> -> memref<128x64xf32, #tpu.memory_space<hbm>>
      %dma_wait3A_144 = arith.constant 0 : i32
      %dma_wait3A_145 = arith.constant 0 : i32
      %dma_wait3A_146 = tpu.memref_slice %arg7[%dma_wait3A_144, %dma_wait3A_145] : memref<200x64xf32, #tpu.memory_space<vmem>> -> memref<128x64xf32, #tpu.memory_space<vmem>>
      %dma_wait3A_147 = arith.constant 0 : i32
      %dma_wait3A_148 = arith.constant 0 : i32
      %dma_wait3A_149 = tpu.memref_slice %arg3[%dma_wait3A_147, %dma_wait3A_148] : memref<400000x64xf32, #tpu.memory_space<hbm>> -> memref<128x64xf32, #tpu.memory_space<hbm>>
      tpu.wait_dma2 semaphore(%arg11 : memref<!tpu.dma_semaphore, #tpu.memory_space<semaphore_mem>>) src(%dma_wait3A_149 : memref<128x64xf32, #tpu.memory_space<hbm>>) dst(%dma_wait3A_146 : memref<128x64xf32, #tpu.memory_space<vmem>>)
      %dma_wait3A_150 = arith.constant 128 : i32
      %dma_wait3A_151 = arith.constant 0 : i32
      %dma_wait3A_152 = tpu.memref_slice %arg7[%dma_wait3A_150, %dma_wait3A_151] : memref<200x64xf32, #tpu.memory_space<vmem>> -> memref<72x64xf32, #tpu.memory_space<vmem>>
      %dma_wait3A_153 = arith.constant 0 : i32
      %dma_wait3A_154 = arith.constant 0 : i32
      %dma_wait3A_155 = tpu.memref_slice %arg3[%dma_wait3A_153, %dma_wait3A_154] : memref<400000x64xf32, #tpu.memory_space<hbm>> -> memref<72x64xf32, #tpu.memory_space<hbm>>
      %dma_wait3A_156 = arith.constant 128 : i32
      %dma_wait3A_157 = arith.constant 0 : i32
      %dma_wait3A_158 = tpu.memref_slice %arg7[%dma_wait3A_156, %dma_wait3A_157] : memref<200x64xf32, #tpu.memory_space<vmem>> -> memref<72x64xf32, #tpu.memory_space<vmem>>
      %dma_wait3A_159 = arith.constant 0 : i32
      %dma_wait3A_160 = arith.constant 0 : i32
      %dma_wait3A_161 = tpu.memref_slice %arg3[%dma_wait3A_159, %dma_wait3A_160] : memref<400000x64xf32, #tpu.memory_space<hbm>> -> memref<72x64xf32, #tpu.memory_space<hbm>>
      tpu.wait_dma2 semaphore(%arg11 : memref<!tpu.dma_semaphore, #tpu.memory_space<semaphore_mem>>) src(%dma_wait3A_161 : memref<72x64xf32, #tpu.memory_space<hbm>>) dst(%dma_wait3A_158 : memref<72x64xf32, #tpu.memory_space<vmem>>)
      %ge3A_162 = arith.constant 2 : i32
      %ge3A_163 = arith.cmpi sge, %mul3A_64, %ge3A_162 : i32
      %convert_element_type3A_164 = arith.extui %ge3A_163 : i1 to i32
      %cond3A_165 = arith.constant 0 : i32
      %cond3A_166 = arith.cmpi ne, %convert_element_type3A_164, %cond3A_165 : i32
      scf.if %cond3A_166 {
        %dma_wait3A_185 = arith.constant 0 : i32
        %dma_wait3A_186 = arith.constant 0 : i32
        %dma_wait3A_187 = arith.constant 0 : i32
        %dma_wait3A_188 = arith.constant 0 : i32
        %dma_wait3A_189 = tpu.memref_slice %arg4[%dma_wait3A_185, %dma_wait3A_186, %dma_wait3A_187, %dma_wait3A_188] : memref<4096x50x1x64xf32, #tpu.memory_space<hbm>> -> memref<2x50x1x64xf32, #tpu.memory_space<hbm>>
        %dma_wait3A_190 = arith.constant 0 : i32
        %dma_wait3A_191 = arith.constant 0 : i32
        %dma_wait3A_192 = arith.constant 0 : i32
        %dma_wait3A_193 = arith.constant 0 : i32
        %dma_wait3A_194 = tpu.memref_slice %arg4[%dma_wait3A_190, %dma_wait3A_191, %dma_wait3A_192, %dma_wait3A_193] : memref<4096x50x1x64xf32, #tpu.memory_space<hbm>> -> memref<2x50x1x64xf32, #tpu.memory_space<hbm>>
        tpu.wait_dma2 semaphore(%arg13 : memref<!tpu.dma_semaphore, #tpu.memory_space<semaphore_mem>>) src(%dma_wait3A_194 : memref<2x50x1x64xf32, #tpu.memory_space<hbm>>) dst(%arg9 : memref<2x50x1x64xf32, #tpu.memory_space<vmem>>)
      } else {
      }
      %add3A_167 = arith.constant 1 : i32
      %add3A_168 = arith.addi %mul3A_64, %add3A_167 : i32
      %parallel_loop3A_169 = arith.constant 0 : i32
      %parallel_loop3A_170 = arith.constant 100 : i32
      %parallel_loop3A_171 = arith.constant 1 : i32
      scf.for %parallel_loop3A_185 = %parallel_loop3A_169 to %parallel_loop3A_170 step %parallel_loop3A_171  : i32 {
        %parallel_loop3A_186 = arith.constant 50 : i32
        %parallel_loop3A_187 = arith.divsi %parallel_loop3A_185, %parallel_loop3A_186 : i32
        %parallel_loop3A_188 = arith.constant 0 : i32
        %parallel_loop3A_189 = arith.cmpi sgt, %parallel_loop3A_185, %parallel_loop3A_188 : i32
        %parallel_loop3A_190 = arith.extui %parallel_loop3A_189 : i1 to i32
        %parallel_loop3A_191 = arith.constant 0 : i32
        %parallel_loop3A_192 = arith.cmpi slt, %parallel_loop3A_185, %parallel_loop3A_191 : i32
        %parallel_loop3A_193 = arith.extui %parallel_loop3A_192 : i1 to i32
        %parallel_loop3A_194 = arith.subi %parallel_loop3A_190, %parallel_loop3A_193 : i32
        %parallel_loop3A_195 = arith.constant 0 : i32
        %parallel_loop3A_196 = arith.cmpi sgt, %parallel_loop3A_186, %parallel_loop3A_195 : i32
        %parallel_loop3A_197 = arith.extui %parallel_loop3A_196 : i1 to i32
        %parallel_loop3A_198 = arith.constant 0 : i32
        %parallel_loop3A_199 = arith.cmpi slt, %parallel_loop3A_186, %parallel_loop3A_198 : i32
        %parallel_loop3A_200 = arith.extui %parallel_loop3A_199 : i1 to i32
        %parallel_loop3A_201 = arith.subi %parallel_loop3A_197, %parallel_loop3A_200 : i32
        %parallel_loop3A_202 = arith.cmpi ne, %parallel_loop3A_194, %parallel_loop3A_201 : i32
        %parallel_loop3A_203 = arith.remsi %parallel_loop3A_185, %parallel_loop3A_186 : i32
        %parallel_loop3A_204 = arith.constant 0 : i32
        %parallel_loop3A_205 = arith.cmpi ne, %parallel_loop3A_203, %parallel_loop3A_204 : i32
        %parallel_loop3A_206 = arith.andi %parallel_loop3A_202, %parallel_loop3A_205 : i1
        %parallel_loop3A_207 = arith.constant 1 : i32
        %parallel_loop3A_208 = arith.subi %parallel_loop3A_187, %parallel_loop3A_207 : i32
        %parallel_loop3A_209 = arith.select %parallel_loop3A_206, %parallel_loop3A_208, %parallel_loop3A_187 : i32
        %parallel_loop3A_210 = arith.constant 50 : i32
        %parallel_loop3A_211 = arith.muli %parallel_loop3A_209, %parallel_loop3A_210 : i32
        %parallel_loop3A_212 = arith.subi %parallel_loop3A_185, %parallel_loop3A_211 : i32
        %parallel_loop3A_213 = arith.constant 2 : i32
        %parallel_loop3A_214 = arith.muli %parallel_loop3A_213, %parallel_loop3A_185 : i32
        %parallel_loop3A_215 = arith.index_cast %parallel_loop3A_214 : i32 to index
        %parallel_loop3A_216 = arith.constant 0 : index
        %parallel_loop3A_217 = tpu.vector_load %arg7[%parallel_loop3A_215, %parallel_loop3A_216] {strides = array<i32>} : memref<200x64xf32, #tpu.memory_space<vmem>>, vector<1x16xf32>,
        %parallel_loop3A_218 = vector.shape_cast %parallel_loop3A_217 : vector<1x16xf32> to vector<16xf32>
        %parallel_loop3A_219 = arith.constant 2 : i32
        %parallel_loop3A_220 = arith.muli %parallel_loop3A_219, %parallel_loop3A_185 : i32
        %parallel_loop3A_221 = arith.constant 1 : i32
        %parallel_loop3A_222 = arith.addi %parallel_loop3A_220, %parallel_loop3A_221 : i32
        %parallel_loop3A_223 = arith.index_cast %parallel_loop3A_222 : i32 to index
        %parallel_loop3A_224 = arith.constant 0 : index
        %parallel_loop3A_225 = tpu.vector_load %arg7[%parallel_loop3A_223, %parallel_loop3A_224] {strides = array<i32>} : memref<200x64xf32, #tpu.memory_space<vmem>>, vector<1x16xf32>,
        %parallel_loop3A_226 = vector.shape_cast %parallel_loop3A_225 : vector<1x16xf32> to vector<16xf32>
        %parallel_loop3A_227 = arith.addf %parallel_loop3A_218, %parallel_loop3A_226 : vector<16xf32>
        %parallel_loop3A_228 = arith.constant 0 : i32
        %parallel_loop3A_229 = arith.index_cast %parallel_loop3A_209 : i32 to index
        %parallel_loop3A_230 = arith.index_cast %parallel_loop3A_212 : i32 to index
        %parallel_loop3A_231 = arith.index_cast %parallel_loop3A_228 : i32 to index
        %parallel_loop3A_232 = arith.constant 0 : index
        %parallel_loop3A_233 = tpu.vector_load %arg9[%parallel_loop3A_229, %parallel_loop3A_230, %parallel_loop3A_231, %parallel_loop3A_232] {strides = array<i32>} : memref<2x50x1x64xf32, #tpu.memory_space<vmem>>, vector<1x1x1x16xf32>,
        %parallel_loop3A_234 = vector.shape_cast %parallel_loop3A_233 : vector<1x1x1x16xf32> to vector<16xf32>
        %parallel_loop3A_235 = vector.shape_cast %parallel_loop3A_227 : vector<16xf32> to vector<1x1x1x16xf32>
        tpu.vector_store %arg9[%parallel_loop3A_229, %parallel_loop3A_230, %parallel_loop3A_231, %parallel_loop3A_232], %parallel_loop3A_235 {strides = array<i32>} : memref<2x50x1x64xf32, #tpu.memory_space<vmem>>, vector<1x1x1x16xf32>,
        %parallel_loop3A_236 = arith.constant 2 : i32
        %parallel_loop3A_237 = arith.muli %parallel_loop3A_236, %parallel_loop3A_185 : i32
        %parallel_loop3A_238 = arith.index_cast %parallel_loop3A_237 : i32 to index
        %parallel_loop3A_239 = arith.constant 16 : index
        %parallel_loop3A_240 = tpu.vector_load %arg7[%parallel_loop3A_238, %parallel_loop3A_239] {strides = array<i32>} : memref<200x64xf32, #tpu.memory_space<vmem>>, vector<1x16xf32>,
        %parallel_loop3A_241 = vector.shape_cast %parallel_loop3A_240 : vector<1x16xf32> to vector<16xf32>
        %parallel_loop3A_242 = arith.constant 2 : i32
        %parallel_loop3A_243 = arith.muli %parallel_loop3A_242, %parallel_loop3A_185 : i32
        %parallel_loop3A_244 = arith.constant 1 : i32
        %parallel_loop3A_245 = arith.addi %parallel_loop3A_243, %parallel_loop3A_244 : i32
        %parallel_loop3A_246 = arith.index_cast %parallel_loop3A_245 : i32 to index
        %parallel_loop3A_247 = arith.constant 16 : index
        %parallel_loop3A_248 = tpu.vector_load %arg7[%parallel_loop3A_246, %parallel_loop3A_247] {strides = array<i32>} : memref<200x64xf32, #tpu.memory_space<vmem>>, vector<1x16xf32>,
        %parallel_loop3A_249 = vector.shape_cast %parallel_loop3A_248 : vector<1x16xf32> to vector<16xf32>
        %parallel_loop3A_250 = arith.addf %parallel_loop3A_241, %parallel_loop3A_249 : vector<16xf32>
        %parallel_loop3A_251 = arith.constant 0 : i32
        %parallel_loop3A_252 = arith.index_cast %parallel_loop3A_209 : i32 to index
        %parallel_loop3A_253 = arith.index_cast %parallel_loop3A_212 : i32 to index
        %parallel_loop3A_254 = arith.index_cast %parallel_loop3A_251 : i32 to index
        %parallel_loop3A_255 = arith.constant 16 : index
        %parallel_loop3A_256 = tpu.vector_load %arg9[%parallel_loop3A_252, %parallel_loop3A_253, %parallel_loop3A_254, %parallel_loop3A_255] {strides = array<i32>} : memref<2x50x1x64xf32, #tpu.memory_space<vmem>>, vector<1x1x1x16xf32>,
        %parallel_loop3A_257 = vector.shape_cast %parallel_loop3A_256 : vector<1x1x1x16xf32> to vector<16xf32>
        %parallel_loop3A_258 = vector.shape_cast %parallel_loop3A_250 : vector<16xf32> to vector<1x1x1x16xf32>
        tpu.vector_store %arg9[%parallel_loop3A_252, %parallel_loop3A_253, %parallel_loop3A_254, %parallel_loop3A_255], %parallel_loop3A_258 {strides = array<i32>} : memref<2x50x1x64xf32, #tpu.memory_space<vmem>>, vector<1x1x1x16xf32>,
        %parallel_loop3A_259 = arith.constant 2 : i32
        %parallel_loop3A_260 = arith.muli %parallel_loop3A_259, %parallel_loop3A_185 : i32
        %parallel_loop3A_261 = arith.index_cast %parallel_loop3A_260 : i32 to index
        %parallel_loop3A_262 = arith.constant 32 : index
        %parallel_loop3A_263 = tpu.vector_load %arg7[%parallel_loop3A_261, %parallel_loop3A_262] {strides = array<i32>} : memref<200x64xf32, #tpu.memory_space<vmem>>, vector<1x16xf32>,
        %parallel_loop3A_264 = vector.shape_cast %parallel_loop3A_263 : vector<1x16xf32> to vector<16xf32>
        %parallel_loop3A_265 = arith.constant 2 : i32
        %parallel_loop3A_266 = arith.muli %parallel_loop3A_265, %parallel_loop3A_185 : i32
        %parallel_loop3A_267 = arith.constant 1 : i32
        %parallel_loop3A_268 = arith.addi %parallel_loop3A_266, %parallel_loop3A_267 : i32
        %parallel_loop3A_269 = arith.index_cast %parallel_loop3A_268 : i32 to index
        %parallel_loop3A_270 = arith.constant 32 : index
        %parallel_loop3A_271 = tpu.vector_load %arg7[%parallel_loop3A_269, %parallel_loop3A_270] {strides = array<i32>} : memref<200x64xf32, #tpu.memory_space<vmem>>, vector<1x16xf32>,
        %parallel_loop3A_272 = vector.shape_cast %parallel_loop3A_271 : vector<1x16xf32> to vector<16xf32>
        %parallel_loop3A_273 = arith.addf %parallel_loop3A_264, %parallel_loop3A_272 : vector<16xf32>
        %parallel_loop3A_274 = arith.constant 0 : i32
        %parallel_loop3A_275 = arith.index_cast %parallel_loop3A_209 : i32 to index
        %parallel_loop3A_276 = arith.index_cast %parallel_loop3A_212 : i32 to index
        %parallel_loop3A_277 = arith.index_cast %parallel_loop3A_274 : i32 to index
        %parallel_loop3A_278 = arith.constant 32 : index
        %parallel_loop3A_279 = tpu.vector_load %arg9[%parallel_loop3A_275, %parallel_loop3A_276, %parallel_loop3A_277, %parallel_loop3A_278] {strides = array<i32>} : memref<2x50x1x64xf32, #tpu.memory_space<vmem>>, vector<1x1x1x16xf32>,
        %parallel_loop3A_280 = vector.shape_cast %parallel_loop3A_279 : vector<1x1x1x16xf32> to vector<16xf32>
        %parallel_loop3A_281 = vector.shape_cast %parallel_loop3A_273 : vector<16xf32> to vector<1x1x1x16xf32>
        tpu.vector_store %arg9[%parallel_loop3A_275, %parallel_loop3A_276, %parallel_loop3A_277, %parallel_loop3A_278], %parallel_loop3A_281 {strides = array<i32>} : memref<2x50x1x64xf32, #tpu.memory_space<vmem>>, vector<1x1x1x16xf32>,
        %parallel_loop3A_282 = arith.constant 2 : i32
        %parallel_loop3A_283 = arith.muli %parallel_loop3A_282, %parallel_loop3A_185 : i32
        %parallel_loop3A_284 = arith.index_cast %parallel_loop3A_283 : i32 to index
        %parallel_loop3A_285 = arith.constant 48 : index
        %parallel_loop3A_286 = tpu.vector_load %arg7[%parallel_loop3A_284, %parallel_loop3A_285] {strides = array<i32>} : memref<200x64xf32, #tpu.memory_space<vmem>>, vector<1x16xf32>,
        %parallel_loop3A_287 = vector.shape_cast %parallel_loop3A_286 : vector<1x16xf32> to vector<16xf32>
        %parallel_loop3A_288 = arith.constant 2 : i32
        %parallel_loop3A_289 = arith.muli %parallel_loop3A_288, %parallel_loop3A_185 : i32
        %parallel_loop3A_290 = arith.constant 1 : i32
        %parallel_loop3A_291 = arith.addi %parallel_loop3A_289, %parallel_loop3A_290 : i32
        %parallel_loop3A_292 = arith.index_cast %parallel_loop3A_291 : i32 to index
        %parallel_loop3A_293 = arith.constant 48 : index
        %parallel_loop3A_294 = tpu.vector_load %arg7[%parallel_loop3A_292, %parallel_loop3A_293] {strides = array<i32>} : memref<200x64xf32, #tpu.memory_space<vmem>>, vector<1x16xf32>,
        %parallel_loop3A_295 = vector.shape_cast %parallel_loop3A_294 : vector<1x16xf32> to vector<16xf32>
        %parallel_loop3A_296 = arith.addf %parallel_loop3A_287, %parallel_loop3A_295 : vector<16xf32>
        %parallel_loop3A_297 = arith.constant 0 : i32
        %parallel_loop3A_298 = arith.index_cast %parallel_loop3A_209 : i32 to index
        %parallel_loop3A_299 = arith.index_cast %parallel_loop3A_212 : i32 to index
        %parallel_loop3A_300 = arith.index_cast %parallel_loop3A_297 : i32 to index
        %parallel_loop3A_301 = arith.constant 48 : index
        %parallel_loop3A_302 = tpu.vector_load %arg9[%parallel_loop3A_298, %parallel_loop3A_299, %parallel_loop3A_300, %parallel_loop3A_301] {strides = array<i32>} : memref<2x50x1x64xf32, #tpu.memory_space<vmem>>, vector<1x1x1x16xf32>,
        %parallel_loop3A_303 = vector.shape_cast %parallel_loop3A_302 : vector<1x1x1x16xf32> to vector<16xf32>
        %parallel_loop3A_304 = vector.shape_cast %parallel_loop3A_296 : vector<16xf32> to vector<1x1x1x16xf32>
        tpu.vector_store %arg9[%parallel_loop3A_298, %parallel_loop3A_299, %parallel_loop3A_300, %parallel_loop3A_301], %parallel_loop3A_304 {strides = array<i32>} : memref<2x50x1x64xf32, #tpu.memory_space<vmem>>, vector<1x1x1x16xf32>,
      } {sc.loop_unroll_factor = 2 : i64, sc.parallel_access}
      %mul3A_172 = arith.constant 128 : i32
      %mul3A_173 = arith.muli %add3A, %mul3A_172 : i32
      %mul3A_174 = arith.constant 2 : i32
      %mul3A_175 = arith.muli %add3A_168, %mul3A_174 : i32
      %add3A_176 = arith.addi %mul3A_173, %mul3A_175 : i32
      %dma_start3A_177 = arith.constant 0 : i32
      %dma_start3A_178 = arith.constant 0 : i32
      %dma_start3A_179 = arith.constant 0 : i32
      %dma_start3A_180 = tpu.memref_slice %arg4[%add3A_176, %dma_start3A_177, %dma_start3A_178, %dma_start3A_179] : memref<4096x50x1x64xf32, #tpu.memory_space<hbm>> -> memref<2x50x1x64xf32, #tpu.memory_space<hbm>>
      %dma_start3A_181 = arith.constant 0 : i32
      %dma_start3A_182 = arith.constant 0 : i32
      %dma_start3A_183 = arith.constant 0 : i32
      %dma_start3A_184 = tpu.memref_slice %arg4[%add3A_176, %dma_start3A_181, %dma_start3A_182, %dma_start3A_183] : memref<4096x50x1x64xf32, #tpu.memory_space<hbm>> -> memref<2x50x1x64xf32, #tpu.memory_space<hbm>>
      tpu.enqueue_dma source(%arg9 : memref<2x50x1x64xf32, #tpu.memory_space<vmem>>) target(%dma_start3A_184 : memref<2x50x1x64xf32, #tpu.memory_space<hbm>>) target_semaphore(%arg13 : memref<!tpu.dma_semaphore, #tpu.memory_space<semaphore_mem>>)
    }
    %scan3A_42 = arith.constant 32 : i32
    %dma_wait3A = arith.constant 0 : i32
    %dma_wait3A_43 = arith.constant 0 : i32
    %dma_wait3A_44 = arith.constant 0 : i32
    %dma_wait3A_45 = arith.constant 0 : i32
    %dma_wait3A_46 = tpu.memref_slice %arg4[%dma_wait3A, %dma_wait3A_43, %dma_wait3A_44, %dma_wait3A_45] : memref<4096x50x1x64xf32, #tpu.memory_space<hbm>> -> memref<2x50x1x64xf32, #tpu.memory_space<hbm>>
    %dma_wait3A_47 = arith.constant 0 : i32
    %dma_wait3A_48 = arith.constant 0 : i32
    %dma_wait3A_49 = arith.constant 0 : i32
    %dma_wait3A_50 = arith.constant 0 : i32
    %dma_wait3A_51 = tpu.memref_slice %arg4[%dma_wait3A_47, %dma_wait3A_48, %dma_wait3A_49, %dma_wait3A_50] : memref<4096x50x1x64xf32, #tpu.memory_space<hbm>> -> memref<2x50x1x64xf32, #tpu.memory_space<hbm>>
    tpu.wait_dma2 semaphore(%arg12 : memref<!tpu.dma_semaphore, #tpu.memory_space<semaphore_mem>>) src(%dma_wait3A_51 : memref<2x50x1x64xf32, #tpu.memory_space<hbm>>) dst(%arg8 : memref<2x50x1x64xf32, #tpu.memory_space<vmem>>)
    %dma_wait3A_52 = arith.constant 0 : i32
    %dma_wait3A_53 = arith.constant 0 : i32
    %dma_wait3A_54 = arith.constant 0 : i32
    %dma_wait3A_55 = arith.constant 0 : i32
    %dma_wait3A_56 = tpu.memref_slice %arg4[%dma_wait3A_52, %dma_wait3A_53, %dma_wait3A_54, %dma_wait3A_55] : memref<4096x50x1x64xf32, #tpu.memory_space<hbm>> -> memref<2x50x1x64xf32, #tpu.memory_space<hbm>>
    %dma_wait3A_57 = arith.constant 0 : i32
    %dma_wait3A_58 = arith.constant 0 : i32
    %dma_wait3A_59 = arith.constant 0 : i32
    %dma_wait3A_60 = arith.constant 0 : i32
    %dma_wait3A_61 = tpu.memref_slice %arg4[%dma_wait3A_57, %dma_wait3A_58, %dma_wait3A_59, %dma_wait3A_60] : memref<4096x50x1x64xf32, #tpu.memory_space<hbm>> -> memref<2x50x1x64xf32, #tpu.memory_space<hbm>>
    tpu.wait_dma2 semaphore(%arg13 : memref<!tpu.dma_semaphore, #tpu.memory_space<semaphore_mem>>) src(%dma_wait3A_61 : memref<2x50x1x64xf32, #tpu.memory_space<hbm>>) dst(%arg9 : memref<2x50x1x64xf32, #tpu.memory_space<vmem>>)
    return
  }
}

module attributes {stable_mosaic.version = 14 : i64} {
  func.func @_proj_body(%arg0: i32, %arg1: memref<64x12800xf32, #tpu.memory_space<vmem>>, %arg2: memref<64x128xf32, #tpu.memory_space<vmem>>, %arg3: memref<1x128xf32, #tpu.memory_space<vmem>>, %arg4: memref<12800x128xf32, #tpu.memory_space<vmem>>) attributes {dimension_semantics = [#tpu.dimension_semantics<arbitrary>], iteration_bounds = array<i64: 16>, scalar_prefetch = 0 : i64, scratch_operands = 0 : i64, tpu.core_type = #tpu.core_type<tc>, window_params = [{transform_indices = @transform_0, window_bounds = array<i64: 64, 12800>}, {pipeline_mode = #tpu.pipeline_mode<synchronous>, transform_indices = @transform_1, window_bounds = array<i64: 64, 128>}, {pipeline_mode = #tpu.pipeline_mode<synchronous>, transform_indices = @transform_2, window_bounds = array<i64: 1, 128>}, {transform_indices = @transform_3, window_bounds = array<i64: 12800, 128>}]} {
    %get3A = arith.constant 0 : index
    %get3A_0 = arith.constant 0 : index
    %get3A_1 = vector.load %arg1[%get3A, %get3A_0] : memref<64x12800xf32, #tpu.memory_space<vmem>>, vector<64x12800xf32>
    %get3A_2 = arith.constant 0 : index
    %get3A_3 = arith.constant 0 : index
    %get3A_4 = vector.load %arg2[%get3A_2, %get3A_3] : memref<64x128xf32, #tpu.memory_space<vmem>>, vector<64x128xf32>
    %dot_general3A = arith.constant dense<0.000000e+00> : vector<12800x128xf32>
    %dot_general3A_5 = tpu.matmul %get3A_1, %get3A_4, %dot_general3A {dimension_numbers = #tpu.dot_dimension_numbers<[0], [0], [1], [1], [0, 1, 1, 1], [], []>, transpose_lhs_hint = false} : vector<64x12800xf32>, vector<64x128xf32>, vector<12800x128xf32> -> vector<12800x128xf32>
    %get3A_6 = arith.constant 0 : index
    %get3A_7 = arith.constant 0 : index
    %get3A_8 = vector.load %arg3[%get3A_6, %get3A_7] : memref<1x128xf32, #tpu.memory_space<vmem>>, vector<1x128xf32>
    %mul3A = arith.constant 5.000000e-01 : f32
    %mul3A_9 = vector.broadcast %mul3A : f32 to vector<1x128xf32>
    %mul3A_10 = arith.mulf %mul3A_9, %get3A_8 : vector<1x128xf32>
    %add3A = vector.broadcast %mul3A_10 : vector<1x128xf32> to vector<12800x128xf32>
    %add3A_11 = arith.addf %dot_general3A_5, %add3A : vector<12800x128xf32>
    %swap3A = arith.constant 0 : index
    %swap3A_12 = arith.constant 0 : index
    %swap3A_13 = vector.load %arg4[%swap3A, %swap3A_12] : memref<12800x128xf32, #tpu.memory_space<vmem>>, vector<12800x128xf32>
    tpu.vector_store %arg4[%swap3A, %swap3A_12], %add3A_11 {strides = array<i32>} : memref<12800x128xf32, #tpu.memory_space<vmem>>, vector<12800x128xf32>,
    return
  }
  func.func @transform_0(%arg0: i32) -> (i32, i32) {
    %c0_i32 = arith.constant 0 : i32
    %c0_i32_0 = arith.constant 0 : i32
    return %c0_i32, %arg0 : i32, i32
  }
  func.func @transform_1(%arg0: i32) -> (i32, i32) {
    %c0_i32 = arith.constant 0 : i32
    %c0_i32_0 = arith.constant 0 : i32
    %c0_i32_1 = arith.constant 0 : i32
    return %c0_i32, %c0_i32_0 : i32, i32
  }
  func.func @transform_2(%arg0: i32) -> (i32, i32) {
    %c0_i32 = arith.constant 0 : i32
    %c0_i32_0 = arith.constant 0 : i32
    %c0_i32_1 = arith.constant 0 : i32
    return %c0_i32, %c0_i32_0 : i32, i32
  }
  func.func @transform_3(%arg0: i32) -> (i32, i32) {
    %c0_i32 = arith.constant 0 : i32
    %c0_i32_0 = arith.constant 0 : i32
    return %arg0, %c0_i32 : i32, i32
  }
}

</mosaic_0001>

<sc_bundles>
// kernel: kernel.4.cloned.1.call-start
scs
__scs_entry_jumppad:
0x0: {  	(pc) =	sbr.rel $0x88, $3  }
0x1: {  	(tag) =	ssettag $0x0;
	lr =	simm.s32 $0x1  }
0x2: {  	[smem:$0x3F9D] =	sst lr;
	_ =	strace $0xD0000000  }
0x3: {  	_ = 	snop  }
0x4: {  	_ = 	snop  }
0x5: {  	_ = 	snop  }
0x6: {  	_ = 	snop  }
0x7: {  	_ = 	snop  }
__scs_overlays_trampoline_lowered:
0x8: {  	[smem:$0x3FAC] =	sst s0  }
0x9: {  	[smem:$0x3FAD] =	sst s1  }
0xa: {  	[smem:$0x3FAE] =	sst s2  }
0xb: {  	[smem:$0x3FAF] =	sst s3  }
0xc: {  	[smem:$0x3FB0] =	sst s4  }
0xd: {  	[smem:$0x3FB1] =	sst s5  }
0xe: {  	[smem:$0x3FB2] =	sst s6  }
0xf: {  	[smem:$0x3FB3] =	sst s7  }
0x10: {  	[smem:$0x3FB4] =	sst s8  }
0x11: {  	[smem:$0x3FB5] =	sst s9;
	s0 =	simm.s32 @!p0 $0x0  }
0x12: {  	s1 =	sld [smem:$0x3F9B];
	s0 =	simm.s32 @p0 $0x1  }
0x13: {  	[smem:$0x3FB6] =	sst s0;
	s0 =	simm.s32 @!p1 $0x0  }
0x14: {  	s2 =	sld [smem:$0x3F9A];
	s0 =	simm.s32 @p1 $0x1  }
0x15: {  	[smem:$0x3FB7] =	sst s0;
	s0 =	simm.s32 @!p2 $0x0  }
0x16: {  	s3 =	sld [smem:$0x3FDB];
	s0 =	simm.s32 @p2 $0x1  }
0x17: {  	s4 =	simm.s32 $0x1BF5;
	[smem:$0x3FB9] =	sst s0  }
0x18: {  	s0 =	sld [smem:$0x3F9C];
	_ =	swait.ge [sflag:s4], $0x0  }
0x19: {  	s7 =	sld [smem:$0x3F9D]  }
0x1a: {  	s8 =	sadd.s32 $0xFFFFE003, lr  }
0x1b: {  	s9 =	sadd.s32 $0xFFFFFEF7, lr;
	s5 =	simm.s32 $0xFFFFFFFF;
	p2 =	slt.u32 s8, $0xFFFFF086  }
0x1c: {  	p1 =	slt.u32 s9, $0xF7A;
	s5 =	simm.s32 @!p2 $0x0  }
0x1d: {  	s5 =	simm.s32 @p1 $0x1;
	p0 =	seq.s32 s7, s2  }
0x1e: {  	s7 =	smul.u32 @!p0 $0xF7A, s2;
	p2 =	seq.s32 @!p0 s5, $0x0  }
0x1f: {  	s9 =	smul.u32 $0xF7A, s1;
	s8 =	simm.s32 @!p0 $0x1BF5;
	p2 =	por !p2, p0  }
0x20: {  	[sflag:s8] =	ssyncset.s32 @!p0 $0xFFFFF086;
	s6 =	sadd.s32 @!p0 s3, s7;
	s7 =	simm.s32 @!p0 $0x108  }
0x21: {  	s3 =	sadd.s32 s3, s9;
	s6 =	sadd.s32 @!p0 $0x88, s6;
	s7 =	simm.s32 @p2 $0x1082  }
0x22: {  	[simem:s7], [sflag:s8] =	dma.local @!p0 [hbm:s6], $0xF7A  }
0x23: {  	s9 =	sor.u32 $0xD0000000, s2;
	s6 =	simm.s32 $0x108;
	_ =	swait.ge @!p0 [sflag:s8], $0x0  }
0x24: {  	s3 =	sadd.s32 $0x88, s3;
	s6 =	simm.s32 @!p1 $0x1082;
	[sflag:s4] =	ssyncset.s32 $0xFFFFF086  }
0x25: {  	[simem:s6], [sflag:s4] =	dma.local [hbm:s3], $0xF7A  }
0x26: {  	[smem:$0x3F9D] =	sst s1;
	(tag) =	ssettag s2;
	_ =	strace s9  }
0x27: {  	s1 =	sld [smem:$0x3FAD]  }
0x28: {  	s2 =	sld [smem:$0x3FAE]  }
0x29: {  	s4 =	sld [smem:$0x3FB0]  }
0x2a: {  	p0 =	seq.s32 s5, $0x0;
	s5 =	sld [smem:$0x3FB1]  }
0x2b: {  	s6 =	sld [smem:$0x3FB2]  }
0x2c: {  	s7 =	sld [smem:$0x3FB3]  }
0x2d: {  	s3 =	simm.s32 $0x108;
	s8 =	sld [smem:$0x3FB4]  }
0x2e: {  	s3 =	simm.s32 @!p0 $0x1082;
	s9 =	sld [smem:$0x3FB5]  }
0x2f: {  	lr =	sadd.s32 s0, s3;
	s0 =	sld [smem:$0x3FAC]  }
0x30: {  	s3 =	sld [smem:$0x3FAF]  }
0x31: {  	[smem:$0x3FB8] =	sst s10  }
0x32: {  	s10 =	sld [smem:$0x3FB6];
	_ =	sdelay $0x3  }
0x33: {  	p0 =	seq.s32 s10, $0x1;
	s10 =	sld [smem:$0x3FB8];
	_ =	sdelay $0x3  }
0x34: {  	[smem:$0x3FB8] =	sst s10  }
0x35: {  	s10 =	sld [smem:$0x3FB7];
	_ =	sdelay $0x3  }
0x36: {  	p1 =	seq.s32 s10, $0x1;
	s10 =	sld [smem:$0x3FB8];
	_ =	sdelay $0x3  }
0x37: {  	[smem:$0x3FB8] =	sst s10  }
0x38: {  	s10 =	sld [smem:$0x3FB9]  }
0x39: {  	_ = 	snop;
	(pc) =	sbr.ind lr, $3  }
0x3a: {  	_ = 	snop  }
0x3b: {  	_ = 	snop  }
0x3c: {  	p2 =	seq.s32 s10, $0x1;
	s10 =	sld [smem:$0x3FB8]  }
0x3d: {  	_ =	shalt  }
0x3e: {  	_ =	shalt  }
0x3f: {  	_ =	shalt  }
0x40: {  	_ =	shalt  }
0x41: {  	_ =	shalt  }
0x42: {  	_ =	shalt  }
0x43: {  	_ =	shalt  }
0x44: {  	_ =	shalt  }
0x45: {  	_ =	shalt  }
0x46: {  	_ =	shalt  }
0x47: {  	_ =	shalt  }
0x48: {  	_ =	shalt  }
0x49: {  	_ =	shalt  }
0x4a: {  	_ =	shalt  }
0x4b: {  	_ =	shalt  }
0x4c: {  	_ =	shalt  }
0x4d: {  	_ =	shalt  }
0x4e: {  	_ =	shalt  }
0x4f: {  	_ =	shalt  }
0x50: {  	_ =	shalt  }
0x51: {  	_ =	shalt  }
0x52: {  	_ =	shalt  }
0x53: {  	_ =	shalt  }
0x54: {  	_ =	shalt  }
0x55: {  	_ =	shalt  }
0x56: {  	_ =	shalt  }
0x57: {  	_ =	shalt  }
0x58: {  	_ =	shalt  }
0x59: {  	_ =	shalt  }
0x5a: {  	_ =	shalt  }
0x5b: {  	_ =	shalt  }
0x5c: {  	_ =	shalt  }
0x5d: {  	_ =	shalt  }
0x5e: {  	_ =	shalt  }
0x5f: {  	_ =	shalt  }
0x60: {  	_ =	shalt  }
0x61: {  	_ =	shalt  }
0x62: {  	_ =	shalt  }
0x63: {  	_ =	shalt  }
0x64: {  	_ =	shalt  }
0x65: {  	_ =	shalt  }
0x66: {  	_ =	shalt  }
0x67: {  	_ =	shalt  }
0x68: {  	_ =	shalt  }
0x69: {  	_ =	shalt  }
0x6a: {  	_ =	shalt  }
0x6b: {  	_ =	shalt  }
0x6c: {  	_ =	shalt  }
0x6d: {  	_ =	shalt  }
0x6e: {  	_ =	shalt  }
0x6f: {  	_ =	shalt  }
0x70: {  	_ =	shalt  }
0x71: {  	_ =	shalt  }
0x72: {  	_ =	shalt  }
0x73: {  	_ =	shalt  }
0x74: {  	_ =	shalt  }
0x75: {  	_ =	shalt  }
0x76: {  	_ =	shalt  }
0x77: {  	_ =	shalt  }
0x78: {  	_ =	shalt  }
0x79: {  	_ =	shalt  }
0x7a: {  	_ =	shalt  }
0x7b: {  	_ =	shalt  }
0x7c: {  	_ =	shalt  }
0x7d: {  	_ =	shalt  }
0x7e: {  	_ =	shalt  }
0x7f: {  	_ =	shalt  }
0x80: {  	_ =	shalt  }
0x81: {  	_ =	shalt  }
0x82: {  	_ =	shalt  }
0x83: {  	_ =	shalt  }
0x84: {  	_ =	shalt  }
0x85: {  	_ =	shalt  }
0x86: {  	_ =	shalt  }
0x87: {  	_ =	shalt  }
.Lfunc_end0:
.L_simem_size_0:
called_computation.1_lowered:
.L_overlay_start_0:
0x88: {  	s2 =	sld [smem:$0x3FD9]  }
0x89: {  	s3 =	sld [smem:$0x3FFE];
	_ =	sdelay $0x1  }
0x8a: {  	s1 =	srdreg.scid  }
0x8b: {  	s0 =	sand.u32 $0x1, s1  }
0x8c: {  	s17 =	sshll.u32 s0, $0xA;
	s2 =	sadd.s32 s3, s2  }
0x8d: {  	s2 =	sadd.s32 s2, s17  }
0x8e: {  	[smem:$0x3FC4] =	sst s2  }
0x8f: {  	_ = 	snop  }
0x90: {  	s2 =	sld [smem:$0x3FD0];
	(tm) =	ssettm $0x1  }
0x91: {  	s18 =	sld [smem:$0x3FFB];
	_ =	sdelay $0x3  }
0x92: {  	_ =	strace s18  }
0x93: {  	s3 =	sld [smem:$0x3FFC];
	_ =	sdelay $0x3  }
0x94: {  	_ =	strace s3  }
0x95: {  	s3 =	sld [smem:$0x3FFD];
	_ =	sdelay $0x3  }
0x96: {  	_ =	strace s3  }
0x97: {  	_ =	strace $0x8FFFFFFF  }
0x98: {  	s19 =	sld [smem:$0x3FDB];
	_ =	sdelay $0x1  }
0x99: {  	s4 =	simm.s32 $_scs_section_size  }
0x9a: {  	s5 =	simm.s32 $_size__tile_overlayer_lowered;
	s6 =	simm.s32 $_tile_overlayer_lowered  }
0x9b: {  	s22 =	simm.s32 $0x1BFF;
	s21 =	sshll.u32 s6, $0x1;
	s3 =	sadd.s32 s4, s19  }
0x9c: {  	s7 =	simm.s32 $0x0;
	s20 =	sshll.u32 s5, $0x1;
	s5 =	sadd.s32 s21, s3  }
0x9d: {  	[timem:s7], [sflag:s22] =	dma.local [hbm:s5], s20  }
0x9e: {  	_ =	swait.ge [sflag:s22], s20  }
0x9f: {  	s4 =	ssub.s32 $0x0, s20;
	[sflag:s22] =	ssyncset.done $0x0  }
0xa0: {  	[sflag:s22] =	ssyncadd.s32 s4;
	_ =	sdelay $0x1  }
0xa1: {  	s23 =	simm.s32 $0x1B8B  }
0xa2: {  	_ =	swait.ge [sflag:s23], $0x1  }
0xa3: {  	[sflag:s23] =	ssyncset.done $0x0  }
0xa4: {  	s25 =	simm.s32 $0x1B8E;
	s24 =	sld [smem:$0x3FFE];
	[sflag:s23] =	ssyncadd.s32 $0xFFFFFFFF  }
0xa5: {  	s26 =	simm.s32 $execute0_lowered;
	[smem:$0x3FD2] =	sst s25  }
0xa6: {  	s5 =	sshll.u32 s26, $0x1;
	_ =	strace $0x80000046;
	[dreg:$0x1] =	wrdreg $0xFFFFFFFF  }
0xa7: {  	s28 =	simm.s32 $_size_execute0_lowered;
	s3 =	sadd.s32 s3, s5;
	[dreg:$0x0] =	wrdreg $0x0  }
0xa8: {  	s5 =	sshll.u32 s28, $0x1;
	[dreg:$0x2] =	wrdreg s3  }
0xa9: {  	[dreg:$0x3] =	wrdreg s5  }
0xaa: {  	[dreg:$0x4] =	wrdreg $0xC0  }
0xab: {  	_ =	task [dreg:s7], $0x5FFFF  }
0xac: {  	[dreg:$0x1] =	wrdreg $0xFFFFFFFF  }
0xad: {  	[dreg:$0x0] =	wrdreg $0x60  }
0xae: {  	[dreg:$0x2] =	wrdreg s24  }
0xaf: {  	[dreg:$0x3] =	wrdreg s2  }
0xb0: {  	[dreg:$0x4] =	wrdreg $0x9  }
0xb1: {  	_ =	task.clear_ibuf [dreg:s7], $0x5FFFF;
	_ =	strace $0x90000046  }
0xb2: {  	s29 =	simm.s32 $0x9;
	_ =	strace $0x80000048  }
0xb3: {  	_ =	swait.ge [sflag:s29], $0x1  }
0xb4: {  	[sflag:s29] =	ssyncadd.s32 $0xFFFFFFFF  }
0xb5: {  	_ =	strace $0x90000048  }
0xb6: {  	_ =	sfence  }
0xb7: {  	s30 =	sld [smem:$0x0];
	_ =	sdelay $0x2  }
0xb8: {  	s31 =	sshll.u32 s1, $0xD;
	s1 =	sshrl.u32 s1, $0x2  }
0xb9: {  	s3 =	sand.u32 $0x4000, s31;
	s1 =	sadd.s32 s1, s30  }
0xba: {  	s0 =	sor.u32 s3, s0;
	s1 =	sshll.u32 s1, $0x11  }
0xbb: {  	s0 =	sor.u32 s1, s0  }
0xbc: {  	s0 =	sadd.s32 $0x8F2B, s0  }
0xbd: {  	[sflag:s0] =	ssyncadd.remote.s32 $0x1  }
0xbe: {  	_ =	sfence.sel $0xFFFF  }
0xbf: {  	[dreg:$0x0] =	wrdreg $0xFFFFFFFF;
	(pc) =	sbr.abs _section_cstart, $3  }
0xc0: {  	[dreg:$0x1] =	wrdreg $0xFFFFFFFF  }
0xc1: {  	_ =	task.clear_ibuf [dreg:s7], $0x2FFFF;
	_ =	strace $0x9FFFFFFF  }
0xc2: {  	(tm) =	ssettm $0x7FFFFFFF  }
0xc3: {  	_ =	shalt  }
tec
execute0_lowered:
.L_overlay_start_1:
0x0: {  	(tag) =	ssettag $0x1  }
0x1: {  	s0 =	rddreg [dreg:$0x0];
	s1 =	srdreg.scid  }
0x2: {  	s3 =	stileid.u32;
	s2 =	rddreg [dreg:$0x1];
	s8 =	simm.s32 $0x5  }
0x3: {  	s9 =	simm.s32 $0x80;
	s11 =	simm.s32 $0x48;
	s13 =	simm.s32 $0x6400  }
0x4: {  	s14 =	simm.s32 $0x8400;
	s15 =	simm.s32 $0x1;
	s16 =	simm.s32 $0x9600  }
0x5: {  	s17 =	simm.s32 $0x2;
	s1 =	sand.u32 $0x1, s1;
	s4 =	sshll.u32 s3, $0x1  }
0x6: {  	s18 =	simm.s32 $0xAF00;
	s19 =	simm.s32 $0x3;
	s6 =	sor.u32 s1, s4  }
0x7: {  	s20 =	simm.s32 $0x4;
	s3 =	simm.s32 $0x0;
	s4 =	smul.u32 $0x640, s6  }
0x8: {  	v0 =	vlaneseq.u32;
	s21 =	simm.s32 $0x0;
	[smem:$0x7FF] =	sst s3;
	s1 =	ssub.s32 $0x2, s1  }
0x9: {  	v0 =	vand.u32 $0x1, v0;
	_ =	strace $0x80000047;
	s30 =	sshrl.u32 s1, $0x1;
	s5 =	sadd.s32 s4, s0  }
0xa: {  	v0 =	vmul.u32 $0x30D41, v0;
	s4 =	sadd.s32 $0xC00, s0;
	s0 =	ssub.s32 s1, s30;
	s31 =	sadd.s32 $0x380C00, s5  }
0xb: {  	s6 =	sshll.u32 s6, $0x7;
	s7 =	smax.u32 s0, $0x1;
	[dreg:$0x3] =	wrdreg s31  }
.LBB2_1:
0xc: {  	s0 =	rddreg [dreg:$0x3]  }
0xd: {  	[tilespmem:s3], [sflag:$0x5] =	stream.linear.gather [hbm4b:s0+s3], $0x3200, $0x38;
	[tilespmem:$0xC800] =	vst v63  }
0xe: {  	_ =	swait.ge [sflag:s8], $0x3200  }
0xf: {  	[sflag:s8] =	ssyncset.done $0x0  }
0x10: {  	s1 =	simm.s32 $0x40;
	[sflag:s8] =	ssyncadd.s32 $0xFFFFCE00  }
0x11: {  	v2 =	vld [tilespmem:s1+$0x30]  }
0x12: {  	v5 =	vld [tilespmem:s1+$0xFFFFFFD0]  }
0x13: {  	v7 =	vld [tilespmem:s1+$0xFFFFFFE0]  }
0x14: {  	v4 =	vld [tilespmem:s1+$0xFFFFFFF0]  }
0x15: {  	v3 =	vld [tilespmem:s1+$0x0]  }
0x16: {  	v1 =	vld [tilespmem:s1+$0x10];
	v6 =	vshll.u32 v2, $0x1  }
0x17: {  	v8 =	vshll.u32 v5, $0x1;
	v2 =	vld [tilespmem:s1+$0x20];
	v9 =	vadd.s32 v0, v6  }
0x18: {  	s10 =	simm.s32 $0xC0;
	s0 =	simm.s32 $0x0;
	v5 =	vld [tilespmem:s1+$0xFFFFFFC0];
	v7 =	vshll.u32 v7, $0x1;
	v6 =	vadd.s32 v0, v8;
	[tilespmem:s1+$0x30] =	vst v9  }
.LBB2_2:
0x19: {  	v8 =	vld [tilespmem:s10+$0x30];
	s0 =	sadd.s32 $0x8, s0;
	[tilespmem:s1+$0xFFFFFFD0] =	vst v6;
	v6 =	vadd.s32 v0, v7;
	v4 =	vshll.u32 v4, $0x1  }
0x1a: {  	v7 =	vld [tilespmem:s10+$0xFFFFFFD0];
	p0 =	slt.u32 s0, $0x318;
	[tilespmem:s1+$0xFFFFFFE0] =	vst v6;
	v4 =	vadd.s32 v0, v4;
	v3 =	vshll.u32 v3, $0x1  }
0x1b: {  	v9 =	vld [tilespmem:s10+$0xFFFFFFE0];
	[tilespmem:s1+$0xFFFFFFF0] =	vst v4;
	v3 =	vadd.s32 v0, v3;
	v1 =	vshll.u32 v1, $0x1  }
.Ltmp0:
0x1c: {  	v4 =	vld [tilespmem:s10+$0xFFFFFFF0];
	[tilespmem:s1+$0x0] =	vst v3;
	v1 =	vadd.s32 v0, v1;
	v2 =	vshll.u32 v2, $0x1;
	(pc) =	sbr.rel @p0 .LBB2_2-.Ltmp0, $4  }
0x1d: {  	v3 =	vld [tilespmem:s10+$0x0];
	v5 =	vshll.u32 v5, $0x1;
	[tilespmem:s1+$0x10] =	vst v1;
	v2 =	vadd.s32 v0, v2  }
0x1e: {  	v1 =	vld [tilespmem:s10+$0x10];
	v6 =	vshll.u32 v8, $0x1;
	v5 =	vadd.s32 v0, v5;
	[tilespmem:s1+$0x20] =	vst v2  }
0x1f: {  	v7 =	vshll.u32 v7, $0x1;
	v2 =	vld [tilespmem:s10+$0x20];
	v8 =	vadd.s32 v0, v6;
	[tilespmem:s1+$0xFFFFFFC0] =	vst v5;
	s1 =	smov.u32 s10  }
0x20: {  	s10 =	sadd.s32 $0x80, s10;
	v5 =	vld [tilespmem:s1+$0xFFFFFFC0];
	v6 =	vadd.s32 v0, v7;
	v7 =	vshll.u32 v9, $0x1;
	[tilespmem:s1+$0x30] =	vst v8  }
0x21: {  	[tilespmem:s1+$0xFFFFFFD0] =	vst v6;
	v63 =	vadd.s32 v0, v7;
	v4 =	vshll.u32 v4, $0x1  }
0x22: {  	[tilespmem:s1+$0xFFFFFFE0] =	vst v63;
	v4 =	vadd.s32 v0, v4;
	v3 =	vshll.u32 v3, $0x1  }
0x23: {  	[tilespmem:s1+$0xFFFFFFF0] =	vst v4;
	v3 =	vadd.s32 v0, v3;
	v1 =	vshll.u32 v1, $0x1  }
0x24: {  	[tilespmem:s1+$0x0] =	vst v3;
	v1 =	vadd.s32 v0, v1;
	v2 =	vshll.u32 v2, $0x1  }
0x25: {  	v3 =	vshll.u32 v5, $0x1;
	[tilespmem:s1+$0x10] =	vst v1;
	v1 =	vadd.s32 v0, v2  }
0x26: {  	v2 =	vadd.s32 v0, v3;
	[tilespmem:s1+$0x20] =	vst v1  }
0x27: {  	s22 =	simm.s32 $0x0;
	s0 =	simm.s32 $0x3200;
	[tilespmem:s1+$0xFFFFFFC0] =	vst v2  }
0x28: {  	[tilespmem:s0], [sflag:$0x1] =	stream.indirect.gather [hbm4b:s4+s9], $0x40, s22, s9, $0xb8;
	[tilespmem:$0xC800] =	vst v63  }
0x29: {  	s31 =	simm.s32 $0x5200  }
0x2a: {  	[tilespmem:s31], [sflag:$0x1] =	stream.indirect.gather [hbm4b:s4+s11], $0x40, s9, s11, $0xb8;
	[tilespmem:$0xC800] =	vst v63  }
.LBB2_4:
0x2b: {  	s23 =	sshllo.u32 s22, $0x1  }
0x2c: {  	s0 =	smul.u32 $0x320, s23;
	_ =	sdelay $0x1  }
0x2d: {  	s0 =	sshra.s32 s0, $0x2  }
0x2e: {  	[tilespmem:s13], [sflag:$0x2] =	stream.indirect.gather [hbm4b:s4+s9], $0x40, s0, s9, $0xb8;
	[tilespmem:$0xC800] =	vst v63  }
0x2f: {  	s0 =	sadd.s32 $0x80, s0  }
0x30: {  	[tilespmem:s14], [sflag:$0x2] =	stream.indirect.gather [hbm4b:s4+s11], $0x40, s0, s11, $0xb8;
	[tilespmem:$0xC800] =	vst v63  }
0x31: {  	_ =	swait.ge [sflag:s15], $0x2000  }
0x32: {  	[sflag:s15] =	ssyncset.done $0x0  }
0x33: {  	[sflag:s15] =	ssyncadd.s32 $0xFFFFE000  }
0x34: {  	_ =	swait.ge [sflag:s15], $0x1200  }
0x35: {  	p0 =	seq.s32 s22, $0x0;
	[sflag:s15] =	ssyncset.done $0x0  }
0x36: {  	s0 =	simm.s32 @!p0 $0x3;
	[sflag:s15] =	ssyncadd.s32 $0xFFFFEE00  }
0x37: {  	_ =	swait.ge @!p0 [sflag:s0], $0x1900  }
0x38: {  	[sflag:s0] =	ssyncset.done @!p0 $0x0  }
0x39: {  	s5 =	simm.s32 $0x3280;
	[sflag:s0] =	ssyncadd.s32 @!p0 $0xFFFFE700  }
0x3a: {  	v1 =	vld [tilespmem:s5+$0x40]  }
0x3b: {  	p1 =	por $0x0, $0x0;
	s1 =	simm.s32 $0x3FFFFCE;
	v2 =	vld [tilespmem:s5+$0x0]  }
0x3c: {  	s1 =	simm.s32 @!p1 $0x0;
	v3 =	vld [tilespmem:s5+$0xFFFFFFC0]  }
0x3d: {  	s1 =	sadd.s32 $0x0, s1;
	v4 =	vld [tilespmem:s5+$0xFFFFFF80]  }
0x3e: {  	s1 =	sshll.u32 s1, $0x8  }
0x3f: {  	s24 =	simm.s32 $0xA280;
	s10 =	sadd.s32 $0x100, s1  }
0x40: {  	s24 =	simm.s32 @!p1 $0x9600;
	s10 =	sshra.s32 s10, $0x2;
	v1 =	vadd.f32 v1, v2  }
0x41: {  	s25 =	sadd.s32 s10, s24  }
0x42: {  	s1 =	sshra.s32 s1, $0x2;
	v2 =	vadd.f32 v3, v4;
	[tilespmem:s25+$0x0] =	vst v1  }
0x43: {  	s24 =	sadd.s32 s1, s24;
	v1 =	vld [tilespmem:s5+$0x10]  }
0x44: {  	[tilespmem:s24+$0x0] =	vst v2;
	v2 =	vld [tilespmem:s5+$0x50]  }
0x45: {  	v3 =	vld [tilespmem:s5+$0xFFFFFFD0]  }
0x46: {  	s26 =	simm.s32 $0x3380;
	v4 =	vld [tilespmem:s5+$0xFFFFFF90]  }
0x47: {  	v5 =	vld [tilespmem:s26+$0xFFFFFFC0]  }
0x48: {  	v6 =	vld [tilespmem:s26+$0xFFFFFF80]  }
0x49: {  	p1 =	por $0x0, $0x0;
	s1 =	simm.s32 $0x3FFFFCE;
	v1 =	vadd.f32 v2, v1  }
0x4a: {  	s1 =	simm.s32 @!p1 $0x0;
	v7 =	vld [tilespmem:s26+$0x0]  }
0x4b: {  	s1 =	sadd.s32 $0x2, s1;
	v2 =	vld [tilespmem:s26+$0x40];
	v3 =	vadd.f32 v3, v4;
	[tilespmem:s25+$0x10] =	vst v1  }
0x4c: {  	s10 =	simm.s32 $0xA280;
	s1 =	sshll.u32 s1, $0x8;
	v1 =	vld [tilespmem:s5+$0x20]  }
0x4d: {  	s10 =	simm.s32 @!p1 $0x9600;
	s28 =	sshra.s32 s1, $0x2;
	[tilespmem:s24+$0x10] =	vst v3;
	v3 =	vadd.f32 v5, v6;
	v4 =	vld [tilespmem:s5+$0x60]  }
0x4e: {  	s28 =	sadd.s32 s28, s10;
	v5 =	vld [tilespmem:s5+$0xFFFFFFA0]  }
0x4f: {  	s1 =	sadd.s32 $0x100, s1;
	[tilespmem:s28+$0x0] =	vst v3;
	v3 =	vld [tilespmem:s5+$0xFFFFFFE0]  }
0x50: {  	s1 =	sshra.s32 s1, $0x2;
	v2 =	vadd.f32 v2, v7;
	v6 =	vld [tilespmem:s26+$0xFFFFFFD0]  }
0x51: {  	s30 =	simm.s32 $0x3480;
	s29 =	sadd.s32 s1, s10;
	v7 =	vld [tilespmem:s26+$0xFFFFFF90]  }
0x52: {  	[tilespmem:s29+$0x0] =	vst v2;
	v2 =	vld [tilespmem:s30+$0x40]  }
0x53: {  	v8 =	vld [tilespmem:s26+$0x10]  }
0x54: {  	v9 =	vld [tilespmem:s26+$0x50];
	v1 =	vadd.f32 v4, v1  }
0x55: {  	v4 =	vld [tilespmem:s30+$0xFFFFFFC0]  }
0x56: {  	v3 =	vadd.f32 v3, v5;
	v5 =	vld [tilespmem:s30+$0xFFFFFF80];
	[tilespmem:s25+$0x20] =	vst v1  }
0x57: {  	v11 =	vld [tilespmem:s5+$0x30]  }
0x58: {  	[tilespmem:s24+$0x20] =	vst v3;
	v3 =	vld [tilespmem:s30+$0x0]  }
0x59: {  	p1 =	por $0x0, $0x0;
	s1 =	simm.s32 $0x3FFFFCE;
	v10 =	vld [tilespmem:s5+$0xFFFFFFF0];
	v1 =	vadd.f32 v9, v8  }
0x5a: {  	s1 =	simm.s32 @!p1 $0x0;
	v8 =	vld [tilespmem:s5+$0x70]  }
0x5b: {  	s1 =	sadd.s32 $0x4, s1;
	v6 =	vadd.f32 v6, v7;
	v7 =	vld [tilespmem:s5+$0xFFFFFFB0];
	[tilespmem:s29+$0x10] =	vst v1  }
0x5c: {  	s10 =	simm.s32 $0xA280;
	s12 =	sshll.u32 s1, $0x8;
	v1 =	vld [tilespmem:s26+$0x20]  }
0x5d: {  	s10 =	simm.s32 @!p1 $0x9600;
	s1 =	sadd.s32 $0x100, s12;
	s0 =	sshra.s32 s12, $0x2;
	[tilespmem:s28+$0x10] =	vst v6;
	v5 =	vadd.f32 v4, v5;
	v4 =	vld [tilespmem:s26+$0x60]  }
0x5e: {  	s31 =	sshra.s32 s1, $0x2;
	s1 =	sadd.s32 s0, s10;
	v63 =	vadd.f32 v2, v3;
	v3 =	vld [tilespmem:s26+$0xFFFFFFA0]  }
0x5f: {  	s31 =	sadd.s32 s31, s10;
	[tilespmem:s1+$0x0] =	vst v5;
	v5 =	vld [tilespmem:s26+$0xFFFFFFE0];
	v6 =	vadd.f32 v8, v11  }
0x60: {  	s0 =	simm.s32 $0x6;
	s10 =	simm.s32 $0x3580;
	v2 =	vld [tilespmem:s30+$0xFFFFFFD0];
	v7 =	vadd.f32 v10, v7;
	[tilespmem:s31+$0x0] =	vst v63  }
.LBB2_5:
0x61: {  	p1 =	slt.u32 s0, $0x62;
	v8 =	vld [tilespmem:s30+$0xFFFFFF90];
	[tilespmem:s25+$0x30] =	vst v6;
	s12 =	smov.u32 s0;
	s0 =	sadd.s32 $0x2, s0  }
0x62: {  	s25 =	smov.u32 s29;
	s29 =	smov.u32 s31;
	v6 =	vld [tilespmem:s10+$0x40];
	v1 =	vadd.f32 v4, v1;
	[tilespmem:s24+$0x30] =	vst v7;
	s24 =	smov.u32 s28  }
0x63: {  	s28 =	smov.u32 s1;
	v4 =	vld [tilespmem:s30+$0x10]  }
0x64: {  	v7 =	vld [tilespmem:s30+$0x50];
	v3 =	vadd.f32 v5, v3;
	[tilespmem:s25+$0x20] =	vst v1  }
0x65: {  	p2 =	sgt.u32 s12, $0x31;
	s1 =	simm.s32 $0x3FFFFCE;
	v5 =	vld [tilespmem:s10+$0xFFFFFFC0]  }
0x66: {  	s1 =	simm.s32 @!p2 $0x0;
	v9 =	vld [tilespmem:s10+$0xFFFFFF80];
	[tilespmem:s24+$0x20] =	vst v3  }
0x67: {  	s1 =	sadd.s32 s12, s1;
	v10 =	vld [tilespmem:s26+$0xFFFFFFF0]  }
0x68: {  	s1 =	sshll.u32 s1, $0x8;
	v11 =	vld [tilespmem:s26+$0x30]  }
0x69: {  	s5 =	simm.s32 $0xA280;
	s12 =	sadd.s32 $0x100, s1;
	v3 =	vld [tilespmem:s10+$0x0];
	v1 =	vadd.f32 v7, v4  }
0x6a: {  	s5 =	simm.s32 @!p2 $0x9600;
	v2 =	vadd.f32 v2, v8;
	s12 =	sshra.s32 s12, $0x2;
	v7 =	vld [tilespmem:s26+$0x70]  }
0x6b: {  	s31 =	sadd.s32 s12, s5;
	[tilespmem:s29+$0x10] =	vst v1;
	v8 =	vld [tilespmem:s26+$0xFFFFFFB0];
	s26 =	smov.u32 s30;
	s30 =	smov.u32 s10  }
.Ltmp1:
0x6c: {  	s1 =	sshra.s32 s1, $0x2;
	[tilespmem:s28+$0x10] =	vst v2;
	v1 =	vld [tilespmem:s26+$0x20];
	(pc) =	sbr.rel @p1 .LBB2_5-.Ltmp1, $4  }
0x6d: {  	s1 =	sadd.s32 s1, s5;
	v2 =	vadd.f32 v5, v9;
	v4 =	vld [tilespmem:s26+$0x60]  }
0x6e: {  	v9 =	vadd.f32 v6, v3;
	v3 =	vld [tilespmem:s26+$0xFFFFFFA0]  }
0x6f: {  	[tilespmem:s1+$0x0] =	vst v2;
	v5 =	vld [tilespmem:s26+$0xFFFFFFE0];
	v6 =	vadd.f32 v7, v11  }
0x70: {  	s10 =	sadd.s32 $0x100, s10;
	v2 =	vld [tilespmem:s30+$0xFFFFFFD0];
	[tilespmem:s31+$0x0] =	vst v9;
	v7 =	vadd.f32 v10, v8  }
0x71: {  	v8 =	vld [tilespmem:s30+$0x10]  }
0x72: {  	v9 =	vld [tilespmem:s30+$0x50]  }
0x73: {  	v10 =	vld [tilespmem:s30+$0xFFFFFF90];
	_ =	sdelay $0x3  }
0x74: {  	v8 =	vadd.f32 v9, v8  }
0x75: {  	v2 =	vadd.f32 v2, v10  }
0x76: {  	[tilespmem:s31+$0x10] =	vst v8  }
0x77: {  	[tilespmem:s1+$0x10] =	vst v2;
	v2 =	vld [tilespmem:s30+$0x20]  }
0x78: {  	v8 =	vld [tilespmem:s30+$0xFFFFFFA0]  }
0x79: {  	v58 =	vld [tilespmem:s30+$0xFFFFFFE0]  }
0x7a: {  	v1 =	vadd.f32 v4, v1;
	v3 =	vadd.f32 v5, v3;
	v5 =	vld [tilespmem:s30+$0x60];
	_ =	sdelay $0x1  }
0x7b: {  	[tilespmem:s29+$0x20] =	vst v1  }
0x7c: {  	[tilespmem:s28+$0x20] =	vst v3;
	v3 =	vld [tilespmem:s26+$0x30]  }
0x7d: {  	v1 =	vld [tilespmem:s26+$0xFFFFFFF0];
	v4 =	vadd.f32 v58, v8  }
0x7e: {  	v8 =	vld [tilespmem:s26+$0x70];
	v2 =	vadd.f32 v5, v2  }
0x7f: {  	v5 =	vld [tilespmem:s26+$0xFFFFFFB0];
	[tilespmem:s1+$0x20] =	vst v4  }
0x80: {  	[tilespmem:s31+$0x20] =	vst v2;
	v2 =	vld [tilespmem:s30+$0xFFFFFFF0]  }
0x81: {  	v4 =	vld [tilespmem:s30+$0x30]  }
0x82: {  	v59 =	vld [tilespmem:s30+$0x70]  }
0x83: {  	v60 =	vld [tilespmem:s30+$0xFFFFFFB0];
	_ =	sdelay $0x1  }
0x84: {  	[tilespmem:s25+$0x30] =	vst v6;
	v3 =	vadd.f32 v8, v3  }
0x85: {  	s0 =	sshll.u32 s22, $0x2;
	[tilespmem:s24+$0x30] =	vst v7;
	v1 =	vadd.f32 v1, v5  }
0x86: {  	s0 =	sadd.s32 s6, s0;
	[tilespmem:s29+$0x30] =	vst v3;
	v3 =	vadd.f32 v59, v4  }
0x87: {  	s0 =	smul.u32 $0x190, s0;
	[tilespmem:s28+$0x30] =	vst v1;
	v1 =	vadd.f32 v2, v60  }
0x88: {  	p1 =	seq.s32 s22, $0x1F;
	[tilespmem:s31+$0x30] =	vst v3  }
0x89: {  	s0 =	sadd.s32 s2, s0;
	[tilespmem:s1+$0x30] =	vst v1;
	s1 =	smul.u32 @!p1 $0x640, s22  }
0x8a: {  	[hbm4b:s0+s3] =	stream.linear.scatter [tilespmem:s16], [sflag:$0x3], $0x1900, $0x38;
	[tilespmem:$0xC800] =	vst v63  }
0x8b: {  	s0 =	sshra.s32 @!p1 s1, $0x2  }
0x8c: {  	s5 =	simm.s32 @!p1 $0x80;
	s10 =	simm.s32 @!p1 $0x3200;
	s1 =	sadd.s32 @!p1 $0x190, s0  }
0x8d: {  	[tilespmem:s10], [sflag:$0x1] =	stream.indirect.gather @!p1 [hbm4b:s4+s5], $0x40, s1, s5, $0xb8;
	[tilespmem:$0xC800] =	vst v63  }
0x8e: {  	s0 =	sadd.s32 @!p1 $0x210, s0;
	s1 =	simm.s32 @!p1 $0x48;
	s5 =	simm.s32 @!p1 $0x5200  }
0x8f: {  	[tilespmem:s5], [sflag:$0x1] =	stream.indirect.gather @!p1 [hbm4b:s4+s1], $0x40, s0, s1, $0xb8;
	[tilespmem:$0xC800] =	vst v63  }
0x90: {  	_ =	swait.ge [sflag:s17], $0x2000  }
0x91: {  	[sflag:s17] =	ssyncset.done $0x0  }
0x92: {  	[sflag:s17] =	ssyncadd.s32 $0xFFFFE000  }
0x93: {  	_ =	swait.ge [sflag:s17], $0x1200  }
0x94: {  	[sflag:s17] =	ssyncset.done $0x0  }
0x95: {  	s0 =	simm.s32 @!p0 $0x4;
	[sflag:s17] =	ssyncadd.s32 $0xFFFFEE00  }
0x96: {  	_ =	swait.ge @!p0 [sflag:s0], $0x1900  }
0x97: {  	[sflag:s0] =	ssyncset.done @!p0 $0x0  }
0x98: {  	[sflag:s0] =	ssyncadd.s32 @!p0 $0xFFFFE700;
	s0 =	simm.s32 $0x6480  }
0x99: {  	v1 =	vld [tilespmem:s0+$0x40]  }
0x9a: {  	s1 =	simm.s32 $0x3FFFFCE;
	p0 =	por $0x0, $0x0;
	v2 =	vld [tilespmem:s0+$0x0]  }
0x9b: {  	v3 =	vld [tilespmem:s0+$0xFFFFFFC0];
	s1 =	simm.s32 @!p0 $0x0  }
0x9c: {  	v4 =	vld [tilespmem:s0+$0xFFFFFF80];
	s1 =	sadd.s32 $0x0, s1  }
0x9d: {  	s1 =	sshll.u32 s1, $0x8  }
0x9e: {  	s10 =	simm.s32 $0xBB80;
	s26 =	sadd.s32 $0x100, s1  }
0x9f: {  	s10 =	simm.s32 @!p0 $0xAF00;
	s5 =	sshra.s32 s26, $0x2;
	v1 =	vadd.f32 v1, v2  }
0xa0: {  	s25 =	sadd.s32 s5, s10  }
0xa1: {  	s1 =	sshra.s32 s1, $0x2;
	v2 =	vadd.f32 v3, v4;
	[tilespmem:s25+$0x0] =	vst v1  }
0xa2: {  	s24 =	sadd.s32 s1, s10;
	v1 =	vld [tilespmem:s0+$0x10]  }
0xa3: {  	[tilespmem:s24+$0x0] =	vst v2;
	v2 =	vld [tilespmem:s0+$0x50]  }
0xa4: {  	v3 =	vld [tilespmem:s0+$0xFFFFFFD0]  }
0xa5: {  	s26 =	simm.s32 $0x6580;
	v4 =	vld [tilespmem:s0+$0xFFFFFF90]  }
0xa6: {  	v5 =	vld [tilespmem:s26+$0xFFFFFFC0]  }
0xa7: {  	v6 =	vld [tilespmem:s26+$0xFFFFFF80]  }
0xa8: {  	p0 =	por $0x0, $0x0;
	s1 =	simm.s32 $0x3FFFFCE;
	v1 =	vadd.f32 v2, v1  }
0xa9: {  	s1 =	simm.s32 @!p0 $0x0;
	v7 =	vld [tilespmem:s26+$0x0]  }
0xaa: {  	s1 =	sadd.s32 $0x2, s1;
	v2 =	vld [tilespmem:s26+$0x40];
	v3 =	vadd.f32 v3, v4;
	[tilespmem:s25+$0x10] =	vst v1  }
0xab: {  	s5 =	simm.s32 $0xBB80;
	s1 =	sshll.u32 s1, $0x8;
	v1 =	vld [tilespmem:s0+$0x20]  }
0xac: {  	s5 =	simm.s32 @!p0 $0xAF00;
	s12 =	sshra.s32 s1, $0x2;
	[tilespmem:s24+$0x10] =	vst v3;
	v3 =	vadd.f32 v5, v6;
	v4 =	vld [tilespmem:s0+$0x60]  }
0xad: {  	s28 =	sadd.s32 s12, s5;
	v5 =	vld [tilespmem:s0+$0xFFFFFFA0]  }
0xae: {  	s1 =	sadd.s32 $0x100, s1;
	[tilespmem:s28+$0x0] =	vst v3;
	v3 =	vld [tilespmem:s0+$0xFFFFFFE0]  }
0xaf: {  	s1 =	sshra.s32 s1, $0x2;
	v2 =	vadd.f32 v2, v7;
	v6 =	vld [tilespmem:s26+$0xFFFFFFD0]  }
0xb0: {  	s30 =	simm.s32 $0x6680;
	s29 =	sadd.s32 s1, s5;
	v7 =	vld [tilespmem:s26+$0xFFFFFF90]  }
0xb1: {  	[tilespmem:s29+$0x0] =	vst v2;
	v2 =	vld [tilespmem:s30+$0x40]  }
0xb2: {  	v8 =	vld [tilespmem:s26+$0x10]  }
0xb3: {  	v61 =	vld [tilespmem:s26+$0x50];
	v1 =	vadd.f32 v4, v1  }
0xb4: {  	v4 =	vld [tilespmem:s30+$0xFFFFFFC0]  }
0xb5: {  	v3 =	vadd.f32 v3, v5;
	v5 =	vld [tilespmem:s30+$0xFFFFFF80];
	[tilespmem:s25+$0x20] =	vst v1  }
0xb6: {  	v11 =	vld [tilespmem:s0+$0x30]  }
0xb7: {  	[tilespmem:s24+$0x20] =	vst v3;
	v3 =	vld [tilespmem:s30+$0x0]  }
0xb8: {  	p0 =	por $0x0, $0x0;
	s1 =	simm.s32 $0x3FFFFCE;
	v62 =	vld [tilespmem:s0+$0xFFFFFFF0];
	v1 =	vadd.f32 v61, v8  }
0xb9: {  	s1 =	simm.s32 @!p0 $0x0;
	v8 =	vld [tilespmem:s0+$0x70]  }
0xba: {  	s1 =	sadd.s32 $0x4, s1;
	v6 =	vadd.f32 v6, v7;
	v7 =	vld [tilespmem:s0+$0xFFFFFFB0];
	[tilespmem:s29+$0x10] =	vst v1  }
0xbb: {  	s5 =	simm.s32 $0xBB80;
	s10 =	sshll.u32 s1, $0x8;
	v1 =	vld [tilespmem:s26+$0x20]  }
0xbc: {  	s5 =	simm.s32 @!p0 $0xAF00;
	s1 =	sadd.s32 $0x100, s10;
	[tilespmem:s28+$0x10] =	vst v6;
	s0 =	sshra.s32 s10, $0x2;
	v5 =	vadd.f32 v4, v5;
	v4 =	vld [tilespmem:s26+$0x60]  }
0xbd: {  	s12 =	sshra.s32 s1, $0x2;
	s1 =	sadd.s32 s0, s5;
	v63 =	vadd.f32 v2, v3;
	v3 =	vld [tilespmem:s26+$0xFFFFFFA0]  }
0xbe: {  	s31 =	sadd.s32 s12, s5;
	[tilespmem:s1+$0x0] =	vst v5;
	v5 =	vld [tilespmem:s26+$0xFFFFFFE0];
	v6 =	vadd.f32 v8, v11  }
0xbf: {  	s10 =	simm.s32 $0x6780;
	s0 =	simm.s32 $0x6;
	v2 =	vld [tilespmem:s30+$0xFFFFFFD0];
	v7 =	vadd.f32 v62, v7;
	[tilespmem:s31+$0x0] =	vst v63  }
.LBB2_7:
0xc0: {  	p0 =	slt.u32 s0, $0x62;
	v8 =	vld [tilespmem:s30+$0xFFFFFF90];
	[tilespmem:s25+$0x30] =	vst v6;
	s5 =	smov.u32 s0;
	s0 =	sadd.s32 $0x2, s0  }
0xc1: {  	s25 =	smov.u32 s29;
	s29 =	smov.u32 s31;
	v6 =	vld [tilespmem:s10+$0x40];
	v1 =	vadd.f32 v4, v1;
	[tilespmem:s24+$0x30] =	vst v7;
	s24 =	smov.u32 s28  }
0xc2: {  	s28 =	smov.u32 s1;
	v4 =	vld [tilespmem:s30+$0x10]  }
0xc3: {  	v7 =	vld [tilespmem:s30+$0x50];
	v3 =	vadd.f32 v5, v3;
	[tilespmem:s25+$0x20] =	vst v1  }
0xc4: {  	p1 =	sgt.u32 s5, $0x31;
	s1 =	simm.s32 $0x3FFFFCE;
	v5 =	vld [tilespmem:s10+$0xFFFFFFC0]  }
0xc5: {  	s1 =	simm.s32 @!p1 $0x0;
	v9 =	vld [tilespmem:s10+$0xFFFFFF80];
	[tilespmem:s24+$0x20] =	vst v3  }
0xc6: {  	s1 =	sadd.s32 s5, s1;
	v10 =	vld [tilespmem:s26+$0xFFFFFFF0]  }
0xc7: {  	s1 =	sshll.u32 s1, $0x8;
	v11 =	vld [tilespmem:s26+$0x30]  }
0xc8: {  	s12 =	simm.s32 $0xBB80;
	s5 =	sadd.s32 $0x100, s1;
	v3 =	vld [tilespmem:s10+$0x0];
	v1 =	vadd.f32 v7, v4  }
0xc9: {  	s12 =	simm.s32 @!p1 $0xAF00;
	v2 =	vadd.f32 v2, v8;
	s5 =	sshra.s32 s5, $0x2;
	v7 =	vld [tilespmem:s26+$0x70]  }
0xca: {  	s31 =	sadd.s32 s5, s12;
	[tilespmem:s29+$0x10] =	vst v1;
	v8 =	vld [tilespmem:s26+$0xFFFFFFB0];
	s26 =	smov.u32 s30;
	s30 =	smov.u32 s10  }
.Ltmp2:
0xcb: {  	s1 =	sshra.s32 s1, $0x2;
	[tilespmem:s28+$0x10] =	vst v2;
	v1 =	vld [tilespmem:s26+$0x20];
	(pc) =	sbr.rel @p0 .LBB2_7-.Ltmp2, $4  }
0xcc: {  	s1 =	sadd.s32 s1, s12;
	v2 =	vadd.f32 v5, v9;
	v4 =	vld [tilespmem:s26+$0x60]  }
0xcd: {  	v9 =	vadd.f32 v6, v3;
	v3 =	vld [tilespmem:s26+$0xFFFFFFA0]  }
0xce: {  	[tilespmem:s1+$0x0] =	vst v2;
	v5 =	vld [tilespmem:s26+$0xFFFFFFE0];
	v6 =	vadd.f32 v7, v11  }
0xcf: {  	s10 =	sadd.s32 $0x100, s10;
	v2 =	vld [tilespmem:s30+$0xFFFFFFD0];
	[tilespmem:s31+$0x0] =	vst v9;
	v7 =	vadd.f32 v10, v8  }
0xd0: {  	v8 =	vld [tilespmem:s30+$0x10]  }
0xd1: {  	v9 =	vld [tilespmem:s30+$0x50]  }
0xd2: {  	v10 =	vld [tilespmem:s30+$0xFFFFFF90];
	_ =	sdelay $0x3  }
0xd3: {  	v8 =	vadd.f32 v9, v8  }
0xd4: {  	v2 =	vadd.f32 v2, v10  }
0xd5: {  	[tilespmem:s31+$0x10] =	vst v8  }
0xd6: {  	[tilespmem:s1+$0x10] =	vst v2;
	v2 =	vld [tilespmem:s30+$0x20]  }
0xd7: {  	v55 =	vld [tilespmem:s30+$0xFFFFFFA0]  }
0xd8: {  	v56 =	vld [tilespmem:s30+$0xFFFFFFE0]  }
0xd9: {  	v1 =	vadd.f32 v4, v1;
	v57 =	vld [tilespmem:s30+$0x60];
	_ =	sdelay $0x1  }
0xda: {  	v3 =	vadd.f32 v5, v3;
	[tilespmem:s29+$0x20] =	vst v1  }
0xdb: {  	v59 =	vld [tilespmem:s26+$0x70]  }
0xdc: {  	[tilespmem:s28+$0x20] =	vst v3;
	v3 =	vld [tilespmem:s26+$0x30];
	v58 =	vadd.f32 v56, v55  }
0xdd: {  	v1 =	vld [tilespmem:s26+$0xFFFFFFF0];
	v2 =	vadd.f32 v57, v2  }
0xde: {  	v60 =	vld [tilespmem:s26+$0xFFFFFFB0];
	[tilespmem:s1+$0x20] =	vst v58  }
0xdf: {  	[tilespmem:s31+$0x20] =	vst v2;
	v2 =	vld [tilespmem:s30+$0xFFFFFFF0]  }
0xe0: {  	v61 =	vld [tilespmem:s30+$0x30]  }
0xe1: {  	v62 =	vld [tilespmem:s30+$0x70]  }
0xe2: {  	v63 =	vld [tilespmem:s30+$0xFFFFFFB0];
	_ =	sdelay $0x1  }
0xe3: {  	[tilespmem:s25+$0x30] =	vst v6;
	s22 =	sadd.s32 $0x1, s22;
	v3 =	vadd.f32 v59, v3  }
0xe4: {  	s0 =	sshll.u32 s23, $0x1;
	[tilespmem:s24+$0x30] =	vst v7;
	p0 =	sne.s32 s22, $0x20;
	v1 =	vadd.f32 v1, v60  }
.Ltmp3:
0xe5: {  	s0 =	sadd.s32 s6, s0;
	[tilespmem:s29+$0x30] =	vst v3;
	v3 =	vadd.f32 v62, v61;
	(pc) =	sbr.rel @p0 .LBB2_4-.Ltmp3, $4  }
0xe6: {  	s0 =	smul.u32 $0x190, s0;
	[tilespmem:s28+$0x30] =	vst v1;
	v1 =	vadd.f32 v2, v63  }
0xe7: {  	[tilespmem:s31+$0x30] =	vst v3  }
0xe8: {  	s0 =	sadd.s32 s2, s0;
	[tilespmem:s1+$0x30] =	vst v1  }
0xe9: {  	[hbm4b:s0+s3] =	stream.linear.scatter [tilespmem:s18], [sflag:$0x4], $0x1900, $0x38;
	[tilespmem:$0xC800] =	vst v63  }
0xea: {  	s21 =	sadd.s32 $0x1, s21  }
0xeb: {  	_ =	swait.ge [sflag:s19], $0x1900;
	p0 =	sne.s32 s21, s7  }
.Ltmp4:
0xec: {  	[sflag:s19] =	ssyncset.done $0x0;
	(pc) =	sbr.rel @p0 .LBB2_1-.Ltmp4, $4  }
0xed: {  	[sflag:s19] =	ssyncadd.s32 $0xFFFFE700  }
0xee: {  	_ =	swait.ge [sflag:s20], $0x1900  }
0xef: {  	[sflag:s20] =	ssyncset.done $0x0  }
0xf0: {  	[sflag:s20] =	ssyncadd.s32 $0xFFFFE700  }
0xf1: {  	_ =	sfence.sel $0x180000  }
0xf2: {  	[bflag:$0x0] =	sbarrier.arrive $0xFFFF  }
0xf3: {  	_ =	strace $0x90000047  }
0xf4: {  	s0 =	stileid.u32;
	[bflag:$0x2] =	sbarrier.arrive $0xFFFF  }
0xf5: {  	p0 =	sne.s32 s0, $0x0;
	s0 =	rddreg [dreg:$0x2]  }
0xf6: {  	s0 =	sadd.s32 @!p0 $0x100000, s0  }
0xf7: {  	[sflag:s0] =	ssyncadd.tile.s32 @!p0 $0x1;
	_ =	shalt  }
.Lfunc_end2:
_tile_overlayer_lowered:
.L_overlay_start_2:
0xf8: {  	(tag) =	ssettag $0x2  }
0xf9: {  	s0 =	rddreg [dreg:$0x0];
	s2 =	stileid.u32  }
0xfa: {  	s1 =	rddreg [dreg:$0x1];
	p0 =	sne.s32 s2, $0x0  }
0xfb: {  	s3 =	rddreg [dreg:$0x2];
	[bflag:$0x3] =	sbarrier.arrive $0xFFFF;
	s2 =	simm.s32 @!p0 $0x1C05  }
0xfc: {  	[timem:s3], [sflag:s2] =	dma.local @!p0 [hbm:s0], s1  }
0xfd: {  	s0 =	simm.s32 @!p0 $0x5  }
0xfe: {  	_ =	swait.ge @!p0 [sflag:s0], s1  }
0xff: {  	s1 =	ssub.s32 @!p0 $0x0, s1;
	[sflag:s0] =	ssyncset.done @!p0 $0x0  }
0x100: {  	[sflag:s0] =	ssyncadd.s32 @!p0 s1  }
0x101: {  	[bflag:$0x3] =	sbarrier.arrive $0xFFFF  }
0x102: {  	_ =	shalt  }

// kernel: sparse-core-data-format-call.cloned.1.call-start
scs
called_computation_lowered:
.L_overlay_start_0:
0x0: {  	s2 =	sld [smem:$0x3FD9]  }
0x1: {  	s3 =	sld [smem:$0x3FFE];
	_ =	sdelay $0x1  }
0x2: {  	s1 =	srdreg.scid  }
0x3: {  	s0 =	sand.u32 $0x1, s1  }
0x4: {  	s18 =	sshll.u32 s0, $0xA;
	s2 =	sadd.s32 s3, s2  }
0x5: {  	s2 =	sadd.s32 s2, s18  }
0x6: {  	[smem:$0x3FC4] =	sst s2  }
0x7: {  	_ = 	snop  }
0x8: {  	s2 =	sld [smem:$0x3FD0];
	(tm) =	ssettm $0x1  }
0x9: {  	s19 =	sld [smem:$0x3FFB];
	_ =	sdelay $0x3  }
0xa: {  	_ =	strace s19  }
0xb: {  	s3 =	sld [smem:$0x3FFC];
	_ =	sdelay $0x3  }
0xc: {  	_ =	strace s3  }
0xd: {  	s3 =	sld [smem:$0x3FFD];
	_ =	sdelay $0x3  }
0xe: {  	_ =	strace s3  }
0xf: {  	_ =	strace $0x8FFFFFFF  }
0x10: {  	s20 =	sld [smem:$0x3FDB];
	_ =	sdelay $0x1  }
0x11: {  	s4 =	simm.s32 $_scs_section_size  }
0x12: {  	s5 =	simm.s32 $_size__tile_overlayer_lowered;
	s6 =	simm.s32 $_tile_overlayer_lowered  }
0x13: {  	s23 =	simm.s32 $0x1BFF;
	s22 =	sshll.u32 s6, $0x1;
	s3 =	sadd.s32 s4, s20  }
0x14: {  	s7 =	simm.s32 $0x0;
	s21 =	sshll.u32 s5, $0x1;
	s5 =	sadd.s32 s22, s3  }
0x15: {  	[timem:s7], [sflag:s23] =	dma.local [hbm:s5], s21  }
0x16: {  	_ =	swait.ge [sflag:s23], s21  }
0x17: {  	s4 =	ssub.s32 $0x0, s21;
	[sflag:s23] =	ssyncset.done $0x0  }
0x18: {  	[sflag:s23] =	ssyncadd.s32 s4;
	_ =	sdelay $0x1  }
0x19: {  	s24 =	simm.s32 $0x1B8B  }
0x1a: {  	_ =	swait.ge [sflag:s24], $0x1  }
0x1b: {  	[sflag:s24] =	ssyncset.done $0x0  }
0x1c: {  	s26 =	simm.s32 $0x1B8E;
	s25 =	sld [smem:$0x3FFE];
	[sflag:s24] =	ssyncadd.s32 $0xFFFFFFFF  }
0x1d: {  	s27 =	simm.s32 $execute0_lowered;
	[smem:$0x3FD2] =	sst s26  }
0x1e: {  	s5 =	sshll.u32 s27, $0x1;
	_ =	strace $0x80000049;
	[dreg:$0x1] =	wrdreg $0xFFFFFFFF  }
0x1f: {  	s28 =	simm.s32 $_size_execute0_lowered;
	s3 =	sadd.s32 s3, s5;
	[dreg:$0x0] =	wrdreg $0x0  }
0x20: {  	s5 =	sshll.u32 s28, $0x1;
	[dreg:$0x2] =	wrdreg s3  }
0x21: {  	[dreg:$0x3] =	wrdreg s5  }
0x22: {  	[dreg:$0x4] =	wrdreg $0xC0  }
0x23: {  	_ =	task [dreg:s7], $0x5FFFF  }
0x24: {  	[dreg:$0x1] =	wrdreg $0xFFFFFFFF  }
0x25: {  	[dreg:$0x0] =	wrdreg $0x60  }
0x26: {  	[dreg:$0x2] =	wrdreg s25  }
0x27: {  	[dreg:$0x3] =	wrdreg s2  }
0x28: {  	[dreg:$0x4] =	wrdreg $0x9  }
0x29: {  	_ =	task.clear_ibuf [dreg:s7], $0x5FFFF;
	_ =	strace $0x90000049  }
0x2a: {  	s29 =	simm.s32 $0x9;
	_ =	strace $0x8000004B  }
0x2b: {  	_ =	swait.ge [sflag:s29], $0x1  }
0x2c: {  	[sflag:s29] =	ssyncadd.s32 $0xFFFFFFFF  }
0x2d: {  	_ =	strace $0x9000004B  }
0x2e: {  	_ =	sfence  }
0x2f: {  	s30 =	sld [smem:$0x0];
	_ =	sdelay $0x2  }
0x30: {  	s31 =	sshll.u32 s1, $0xD;
	s1 =	sshrl.u32 s1, $0x2  }
0x31: {  	s3 =	sand.u32 $0x4000, s31;
	s1 =	sadd.s32 s1, s30  }
0x32: {  	s0 =	sor.u32 s3, s0;
	s1 =	sshll.u32 s1, $0x11  }
0x33: {  	s0 =	sor.u32 s1, s0  }
0x34: {  	s0 =	sadd.s32 $0x8F2B, s0  }
0x35: {  	[sflag:s0] =	ssyncadd.remote.s32 $0x1  }
0x36: {  	_ =	sfence.sel $0xFFFF  }
0x37: {  	[dreg:$0x0] =	wrdreg $0xFFFFFFFF;
	(pc) =	sbr.abs _section_cstart, $3  }
0x38: {  	[dreg:$0x1] =	wrdreg $0xFFFFFFFF  }
0x39: {  	_ =	task.clear_ibuf [dreg:s7], $0x2FFFF;
	_ =	strace $0x9FFFFFFF  }
0x3a: {  	(tm) =	ssettm $0x7FFFFFFF  }
0x3b: {  	_ =	shalt  }
tec
execute0_lowered:
.L_overlay_start_1:
0x0: {  	(tag) =	ssettag $0x1  }
0x1: {  	s0 =	srdreg.scid  }
0x2: {  	s1 =	sshll.u32 s0, $0x4  }
0x3: {  	s0 =	stileid.u32;
	s1 =	sand.u32 $0x10, s1  }
0x4: {  	s1 =	sor.u32 s0, s1  }
0x5: {  	s6 =	rddreg [dreg:$0x0];
	s4 =	simm.s32 $0x1;
	s2 =	sshll.u32 s1, $0x7  }
0x6: {  	s7 =	simm.s32 $0x2;
	s12 =	simm.s32 $0x0;
	s1 =	ssub.s32 $0x1000, s2  }
0x7: {  	s8 =	simm.s32 $0x8000;
	s13 =	simm.s32 $0x0;
	s3 =	sand.u32 $0xF80, s1  }
0x8: {  	s9 =	simm.s32 $0x0;
	s5 =	sshrl.u32 s1, $0xC;
	p0 =	sne.s32 s3, $0x0  }
.Ltmp0:
0x9: {  	s1 =	rddreg [dreg:$0x2];
	s4 =	simm.s32 @!p0 $0x0;
	(pc) =	sbr.rel .LBB1_1-.Ltmp0, $4  }
0xa: {  	s11 =	simm.s32 $0x0;
	s3 =	rddreg [dreg:$0x1];
	s5 =	sadd.s32 s4, s5  }
0xb: {  	_ =	strace $0x8000004A;
	s4 =	simm.s32 $0x1;
	s5 =	smul.u32 $0x32, s5  }
0xc: {  	s6 =	sadd.s32 $0xC00, s6;
	s10 =	smov.u32 s2;
	[sflag:s4] =	ssyncpa.u1 $0x0  }
0xd: {  	p0 =	por $0x0, $0x0;
	[sflag:s7] =	ssyncpa.u1 $0x0;
	s7 =	sor.u32 $0x1, s5  }
.LBB1_4:
0xe: {  	s16 =	sshll.u32 s13, $0x3;
	s17 =	sand.u32 $0x78, s13  }
0xf: {  	s30 =	sand.u32 $0x7E00, s13;
	s12 =	sshll.u32 s12, $0xF;
	s16 =	sand.u32 $0xC00, s16  }
0x10: {  	[tilespmem:s15+$0x810 ss:$0x81] =	vst.msk $0xffff, v2;
	s31 =	sand.u32 $0x7, s13;
	s16 =	sor.u32 s17, s16;
	s17 =	sadd.s32 s3, s30  }
0x11: {  	[tilespmem:s15+$0x1020 ss:$0x81] =	vst.msk $0xffff, v0;
	s13 =	sshll.u32 s31, $0x12;
	s12 =	sadd.s32 s12, s17;
	s16 =	sshrl.u32 s16, $0x3  }
0x12: {  	[tilespmem:s15+$0x0 ss:$0x81] =	vst.msk $0xffff, v1;
	s13 =	sor.u32 $0x400, s13;
	s12 =	sadd.s32 s16, s12  }
0x13: {  	[hbm4b:s12+s13] =	stream.strided.scatter [tilespmem:s14], [sflag:$0x2], $0x2000, s8, s13, $0x20;
	[tilespmem:$0x8080] =	vst v63  }
.LBB1_5:
0x14: {  	s14 =	sadd.s32 $0x1, s9  }
0x15: {  	s12 =	sadd.s32 $0x1000, s10;
	s16 =	smov.u32 s10;
	p2 =	sgt.s32 s14, $0x31  }
0x16: {  	s16 =	smov.u32 @p2 s12  }
0x17: {  	s14 =	simm.s32 @p2 $0x0;
	p2 =	sgt.s32 s16, $0xFFF  }
0x18: {  	s16 =	smov.u32 @p2 s2;
	p2 =	sne.s32 s11, s7  }
.Ltmp1:
0x19: {  	p1 =	slt.u32 s11, $0x2;
	(pc) =	sbr.rel @!p2 .LBB1_6-.Ltmp1, $4  }
0x1a: {  	s15 =	simm.s32 @!p1 $0x2  }
0x1b: {  	s13 =	smov.u32 s10;
	p0 =	por !p0, !p0;
	_ =	swait.ge @!p1 [sflag:s15], $0x2000  }
0x1c: {  	s12 =	smov.u32 s9;
	[sflag:s15] =	ssyncset.done @!p1 $0x0;
	s9 =	smov.u32 s14  }
0x1d: {  	s11 =	sadd.s32 $0x1, s11;
	[sflag:s15] =	ssyncadd.s32 @!p1 $0xFFFFE000;
	s10 =	smov.u32 s16  }
.LBB1_1:
0x1e: {  	p1 =	sge.u32 s11, s5  }
0x1f: {  	s15 =	smul.u32 @!p1 $0x320, s10  }
0x20: {  	s31 =	sadd.s32 $0xFFFFFFFF, s11;
	s14 =	sxor.u32 @!p1 $0xFFFFFFFF, s11;
	s16 =	sshll.u32 @!p1 s9, $0x4  }
0x21: {  	s17 =	simm.s32 @!p1 $0x1900;
	s14 =	sshll.u32 @!p1 s14, $0xD;
	s15 =	sadd.s32 @!p1 s6, s15  }
0x22: {  	s14 =	sand.u32 @!p1 $0x2000, s14;
	s15 =	sadd.s32 @!p1 s16, s15;
	s16 =	simm.s32 @!p1 $0x40  }
0x23: {  	[tilespmem:s14], [sflag:$0x1] =	stream.strided.gather @!p1 [hbm4b:s15+s16], $0x2000, s17, s16, $0x38;
	[tilespmem:$0x8080] =	vst v63  }
0x24: {  	p1 =	sge.u32 s31, s5  }
.Ltmp2:
0x25: {  	_ = 	snop;
	(pc) =	sbr.rel @p1 .LBB1_5-.Ltmp2, $1  }
0x26: {  	_ =	sdelay $0x3  }
0x27: {  	s14 =	simm.s32 $0x1  }
0x28: {  	_ =	swait.ge [sflag:s4], $0x2000;
	s14 =	simm.s32 @!p0 $0x0  }
0x29: {  	[sflag:s4] =	ssyncset.done $0x0;
	s15 =	sshll.u32 s14, $0xD  }
0x2a: {  	[sflag:s4] =	ssyncadd.s32 $0xFFFFE000;
	s18 =	sor.u32 $0x20, s15  }
0x2b: {  	s14 =	smul.u32 $0x8100, s14;
	v3 =	vld [tilespmem:s18+$0x10]  }
0x2c: {  	s30 =	sand.u32 $0x1, s11;
	v2 =	vld [tilespmem:s18+$0xFFFFFFF0]  }
0x2d: {  	s15 =	smul.u32 $0x8100, s30;
	s14 =	sshrl.u32 s14, $0x2;
	v0 =	vld [tilespmem:s18+$0x0]  }
0x2e: {  	v1 =	vld [tilespmem:s18+$0xFFFFFFE0];
	s16 =	sor.u32 $0x4000, s14  }
0x2f: {  	s31 =	sshrl.u32 s15, $0x2;
	s15 =	sadd.s32 $0x0, s16  }
0x30: {  	s17 =	simm.s32 $0x4;
	s18 =	sadd.s32 $0x40, s18;
	s14 =	sor.u32 $0x4000, s31;
	[tilespmem:s15+$0x1830 ss:$0x81] =	vst.msk $0xffff, v3  }
.LBB1_3:
0x31: {  	v3 =	vld [tilespmem:s18+$0x10];
	p1 =	sne.s32 s17, $0x1FC;
	[tilespmem:s15+$0x810 ss:$0x81] =	vst.msk $0xffff, v2;
	s19 =	smov.u32 s17;
	s17 =	sadd.s32 $0x4, s17  }
.Ltmp3:
0x32: {  	v2 =	vld [tilespmem:s18+$0xFFFFFFF0];
	[tilespmem:s15+$0x1020 ss:$0x81] =	vst.msk $0xffff, v0;
	(pc) =	sbr.rel @p1 .LBB1_3-.Ltmp3, $4  }
0x33: {  	v0 =	vld [tilespmem:s18+$0x0];
	[tilespmem:s15+$0x0 ss:$0x81] =	vst.msk $0xffff, v1  }
0x34: {  	s15 =	sshra.s32 s19, $0x2;
	v1 =	vld [tilespmem:s18+$0xFFFFFFE0]  }
0x35: {  	s15 =	sadd.s32 s15, s16  }
0x36: {  	s18 =	sadd.s32 $0x40, s18;
	[tilespmem:s15+$0x1830 ss:$0x81] =	vst.msk $0xffff, v3  }
.Ltmp4:
0x37: {  	_ = 	snop;
	(pc) =	sbr.rel .LBB1_4-.Ltmp4, $1  }
0x38: {  	_ =	sdelay $0x3  }
.LBB1_6:
0x39: {  	_ =	sfence.sel $0x180000  }
0x3a: {  	s2 =	simm.s32 $0x1;
	[bflag:$0x0] =	sbarrier.arrive $0xFFFF  }
0x3b: {  	s31 =	simm.s32 $0x2;
	[sflag:s2] =	ssyncpa.u1 $0x1  }
0x3c: {  	[sflag:s31] =	ssyncpa.u1 $0x1  }
0x3d: {  	p0 =	sne.s32 s0, $0x0;
	_ =	strace $0x9000004A  }
0x3e: {  	s0 =	sadd.s32 @!p0 $0x100000, s1;
	[bflag:$0x2] =	sbarrier.arrive $0xFFFF  }
0x3f: {  	[sflag:s0] =	ssyncadd.tile.s32 @!p0 $0x1;
	_ =	shalt  }
.Lfunc_end1:
_tile_overlayer_lowered:
.L_overlay_start_2:
0x40: {  	(tag) =	ssettag $0x2  }
0x41: {  	s0 =	rddreg [dreg:$0x0];
	s2 =	stileid.u32  }
0x42: {  	s1 =	rddreg [dreg:$0x1];
	p0 =	sne.s32 s2, $0x0  }
0x43: {  	s3 =	rddreg [dreg:$0x2];
	[bflag:$0x3] =	sbarrier.arrive $0xFFFF;
	s2 =	simm.s32 @!p0 $0x1C01  }
0x44: {  	[timem:s3], [sflag:s2] =	dma.local @!p0 [hbm:s0], s1  }
0x45: {  	s0 =	simm.s32 @!p0 $0x1  }
0x46: {  	_ =	swait.ge @!p0 [sflag:s0], s1  }
0x47: {  	s1 =	ssub.s32 @!p0 $0x0, s1;
	[sflag:s0] =	ssyncset.done @!p0 $0x0  }
0x48: {  	[sflag:s0] =	ssyncadd.s32 @!p0 s1  }
0x49: {  	[bflag:$0x3] =	sbarrier.arrive $0xFFFF  }
0x4a: {  	_ =	shalt  }

</sc_bundles>
